<compile_context>
chip_gen: v7x
topology: tpu7x:2x2x1
jax: 0.10.2.dev20260603
libtpu: 0.0.44.dev20260713+nightly
codegen_flags: <defaults>
</compile_context>

<pallas_src>
import jax
import jax.numpy as jnp
from jax import lax
from jax.experimental import pallas as pl
from jax.experimental.pallas import tpu as pltpu
from jax.experimental.pallas import tpu_sc as plsc

N = 1_000_000
K = 500_000
NSUB = 16
CHUNK = 62_496
TAIL = N - NSUB * CHUNK
DATA_WORDS = CHUNK + TAIL
ITERS = CHUNK // 16
ITERS_TAIL = DATA_WORDS // 16
B = 1024
BROWS = B // 16


def _lane0(x):
    return lax.squeeze(lax.slice(x, (0,), (1,)), (0,))


def _find_bucket(ref, lane, target):
    zeros = jnp.zeros((16,), jnp.float32)

    def body(i, carry):
        run, b, cab, cat = carry
        c = (BROWS - 1) - i
        v = ref[c]
        rv = lax.rev(v, (0,))
        rc = lax.cumsum(rv, axis=0)
        s = lax.squeeze(lax.slice(rc, (15,), (16,)), (0,))
        crosses = jnp.logical_and(run < target, run + s >= target)

        def hit_fn():
            hit = (run + rc) >= target
            mv = plsc.all_reduce_ffs(hit)
            sel = lane == mv
            m = _lane0(mv)
            nb = c * 16 + 15 - m
            ncab = run + jnp.sum(jnp.where(sel, rc - rv, zeros))
            ncat = jnp.sum(jnp.where(sel, rv, zeros))
            return (nb, ncab, ncat)

        b, cab, cat = lax.cond(crosses, hit_fn, lambda: (b, cab, cat))
        return (run + s, b, cab, cat)

    f0 = jnp.float32(0)
    _, b, cab, cat = lax.fori_loop(
        0, BROWS, body, (f0, jnp.int32(0), f0, f0))
    return b, cab, cat


def _sortable_key(x):
    u = lax.bitcast_convert_type(x, jnp.int32)
    return u ^ lax.shift_right_logical(lax.shift_right_arithmetic(u, 31), 1)


def _body(risks_hbm, out_hbm, data_v, histc_v, sum2_v, stage1_v, stage2_v,
          stageA_v, stageB_v, idx64_v, merged1_sh, merged2c_sh, merged2s_sh,
          sumab_sh, sem):
    wid = lax.axis_index("s")
    lane = lax.iota(jnp.int32, 16)
    zeros = jnp.zeros((16,), jnp.float32)
    ones = jnp.ones((16,), jnp.float32)
    laneoff = lane * B

    cp = pltpu.async_copy(risks_hbm.at[pl.ds(wid * CHUNK, CHUNK)],
                          data_v.at[pl.ds(0, CHUNK)], sem)

    @plsc.parallel_loop(0, B, unroll=8)
    def _(i):
        histc_v[pl.ds(i * 16, 16)] = zeros

    @plsc.parallel_loop(0, BROWS, unroll=4)
    def _(c):
        stage1_v[c] = zeros
    for c4 in range(BROWS // 16):
        idx64_v[pl.ds(c4 * 16, 16)] = lane + c4 * 16

    @pl.when(wid == 0)
    def _():
        pltpu.sync_copy(stage1_v, merged1_sh)
        pltpu.sync_copy(stage1_v, merged2c_sh)
        pltpu.sync_copy(stage1_v.at[pl.ds(0, 16)], sumab_sh)

    @pl.when(wid == NSUB - 1)
    def _():
        pltpu.sync_copy(risks_hbm.at[pl.ds(NSUB * CHUNK, TAIL)],
                        data_v.at[pl.ds(CHUNK, TAIL)])
    plsc.subcore_barrier()

    cp.wait()
    iters_me = jnp.where(wid == NSUB - 1, ITERS_TAIL, ITERS)

    laneoff512 = laneoff + 512

    @plsc.parallel_loop(0, iters_me, unroll=8)
    def _(i):
        x = data_v[pl.ds(i * 16, 16)]
        key = _sortable_key(x)
        idx = laneoff512 + lax.shift_right_arithmetic(key, 22)
        plsc.addupdate_scatter(histc_v, [idx], ones)

    @plsc.parallel_loop(0, BROWS, unroll=2)
    def _(c):
        acc_ = zeros
        for l in range(16):
            acc_ = acc_ + histc_v[pl.ds(l * B + c * 16, 16)]
        stage1_v[c] = acc_
    pltpu.sync_copy(stage1_v, merged1_sh.at[idx64_v], add=True)

    @plsc.parallel_loop(0, B, unroll=8)
    def _(i):
        histc_v[pl.ds(i * 16, 16)] = zeros
    plsc.subcore_barrier()

    pltpu.sync_copy(merged1_sh, stage1_v)
    kf = jnp.float32(K)
    b1, cab1, _ = _find_bucket(stage1_v, lane, kf)
    rem1 = kf - cab1

    b1s = b1 - 512

    @plsc.parallel_loop(0, iters_me, unroll=8, carry=zeros)
    def acc(i, a):
        x = data_v[pl.ds(i * 16, 16)]
        key = _sortable_key(x)
        b1v = lax.shift_right_arithmetic(key, 22)
        a = a + jnp.where(b1v > b1s, x, zeros)
        inb = b1v == b1s
        idx2 = laneoff + (lax.shift_right_arithmetic(key, 12) & 1023)
        plsc.addupdate_scatter(histc_v, [idx2], ones, mask=inb)
        return a

    @plsc.parallel_loop(0, BROWS, unroll=2)
    def _(c):
        acc1 = zeros
        for l in range(16):
            acc1 = acc1 + histc_v[pl.ds(l * B + c * 16, 16)]
        stage1_v[c] = acc1
    stageA_v[...] = acc
    pltpu.sync_copy(stage1_v, merged2c_sh.at[idx64_v], add=True)
    pltpu.sync_copy(stageA_v, sumab_sh.at[wid])
    plsc.subcore_barrier()

    @pl.when(wid == 0)
    def _():
        pltpu.sync_copy(merged2c_sh, stage1_v)
        pltpu.sync_copy(sumab_sh, stageB_v)
        b2, cab2, _ = _find_bucket(stage1_v, lane, rem1)
        rem2 = rem1 - cab2

        hi_key = lax.shift_left(b1s, 22)

        @plsc.parallel_loop(0, BROWS, unroll=4, carry=(zeros, zeros))
        def fin_acc(c, carry):
            sa_v, ed_v = carry
            vc = stage1_v[c]
            gidx = c * 16 + lane
            ke = hi_key + lax.shift_left(gidx, 12)
            ue = jnp.where(ke < 0, ke ^ jnp.int32(0x7FFFFFFF), ke)
            edge = lax.bitcast_convert_type(ue, jnp.float32)
            sa_v = sa_v + jnp.where(gidx > b2, vc * edge, zeros)
            ed_v = ed_v + jnp.where(gidx == b2, edge, zeros)
            return (sa_v, ed_v)
        s_above2 = jnp.sum(fin_acc[0])
        edge_at = jnp.sum(fin_acc[1])

        @plsc.parallel_loop(0, NSUB, unroll=4, carry=zeros)
        def ts_acc(t, a):
            return a + stageB_v[t]
        sum_above1 = jnp.sum(ts_acc)

        tail = (zeros + rem2) * (zeros + edge_at)
        stageA_v[...] = ((zeros + sum_above1 + s_above2) + tail) / (zeros + kf)
        pltpu.sync_copy(stageA_v, out_hbm)


_cvar_call = pl.kernel(
    _body,
    out_type=jax.ShapeDtypeStruct((16,), jnp.float32),
    mesh=plsc.VectorSubcoreMesh(core_axis_name="c", subcore_axis_name="s",
                                num_cores=1, num_subcores=NSUB),
    scratch_types=[
        pltpu.VMEM((DATA_WORDS,), jnp.float32),
        pltpu.VMEM((16 * B,), jnp.float32),
        pltpu.VMEM((16 * B,), jnp.float32),
        pltpu.VMEM((BROWS, 16), jnp.float32),
        pltpu.VMEM((BROWS, 16), jnp.float32),
        pltpu.VMEM((16,), jnp.float32),
        pltpu.VMEM((NSUB, 16), jnp.float32),
        pltpu.VMEM((BROWS,), jnp.int32),
        pltpu.VMEM_SHARED((BROWS, 16), jnp.float32),
        pltpu.VMEM_SHARED((BROWS, 16), jnp.float32),
        pltpu.VMEM_SHARED((BROWS, 16), jnp.float32),
        pltpu.VMEM_SHARED((NSUB, 16), jnp.float32),
        pltpu.SemaphoreType.DMA,
    ],
    compiler_params=pltpu.CompilerParams(needs_layout_passes=False),
)


def kernel(risks):
    out = _cvar_call(risks)
    return out[0]

# --- scband reference (transcript-rebuilt; emitter-appended) ---
"""Pipeline reference for scband-cva-r-27127013441676 (READ-ONLY COPY).

The authoritative reference and input builder live on the scoring server;
editing this copy changes nothing except your own understanding.
"""

import jax, jax.numpy as jnp
import numpy as np

RHO = 0.5

def setup_inputs(seed: int = 0) -> dict:
    key = jax.random.key(seed)
    risks = jax.random.normal(key, (1000000,), dtype=jnp.float32)
    return {"risks": risks}

def reference(risks):
    num_envs = risks.size
    k = max(1, int(RHO * num_envs))
    # torch.sort(descending=True)[:k].mean() == mean of top-k values
    top_vals, top_idx = jax.lax.top_k(risks, k)
    cvar = top_vals.mean()
    return cvar

if __name__ == "__main__":
    import jax
    _d = setup_inputs()
    print(jax.jit(kernel)(*tuple(_d.values())))

</pallas_src>

<mosaic_0001>
#map = affine_map<(d0, d1) -> (0)>
module attributes {stable_mosaic.version = 14 : i64} {
  func.func @_body(%arg0: i32, %arg1: i32, %arg2: memref<1000000xf32, #tpu.memory_space<hbm>>, %arg3: memref<16xf32, #tpu.memory_space<hbm>>, %arg4: memref<62560xf32, #tpu.memory_space<vmem>>, %arg5: memref<16384xf32, #tpu.memory_space<vmem>>, %arg6: memref<16384xf32, #tpu.memory_space<vmem>>, %arg7: memref<64x16xf32, #tpu.memory_space<vmem>>, %arg8: memref<64x16xf32, #tpu.memory_space<vmem>>, %arg9: memref<16xf32, #tpu.memory_space<vmem>>, %arg10: memref<16x16xf32, #tpu.memory_space<vmem>>, %arg11: memref<64xi32, #tpu.memory_space<vmem>>, %arg12: memref<64x16xf32, #tpu.memory_space<vmem_shared>>, %arg13: memref<64x16xf32, #tpu.memory_space<vmem_shared>>, %arg14: memref<64x16xf32, #tpu.memory_space<vmem_shared>>, %arg15: memref<16x16xf32, #tpu.memory_space<vmem_shared>>, %arg16: memref<!tpu.dma_semaphore, #tpu.memory_space<semaphore_mem>>) attributes {dimension_semantics = [#tpu.dimension_semantics<core_parallel>, #tpu.dimension_semantics<subcore_parallel>], iteration_bounds = array<i64: 1, 16>, scalar_prefetch = 0 : i64, scratch_operands = 13 : i64, tpu.core_type = #tpu.core_type<sc_vector_subcore>, window_params = [{transform_indices = #map}, {transform_indices = #map}]} {
    %iota3A = tpu.iota {dimensions = array<i32: 0>} : vector<16xi32>
    %broadcast_in_dim3A = arith.constant 0.000000e+00 : f32
    %broadcast_in_dim3A_0 = vector.broadcast %broadcast_in_dim3A : f32 to vector<16xf32>
    %broadcast_in_dim3A_1 = arith.constant 1.000000e+00 : f32
    %broadcast_in_dim3A_2 = vector.broadcast %broadcast_in_dim3A_1 : f32 to vector<16xf32>
    %mul3A = arith.constant 1024 : i32
    %mul3A_3 = vector.broadcast %mul3A : i32 to vector<16xi32>
    %mul3A_4 = arith.muli %iota3A, %mul3A_3 : vector<16xi32>
    %mul3A_5 = arith.constant 62496 : i32
    %mul3A_6 = arith.muli %arg1, %mul3A_5 : i32
    %dma_start3A = arith.constant 0 : i32
    %dma_start3A_7 = tpu.memref_slice %arg4[%dma_start3A] : memref<62560xf32, #tpu.memory_space<vmem>> -> memref<62496xf32, #tpu.memory_space<vmem>>
    %dma_start3A_8 = tpu.memref_slice %arg2[%mul3A_6] : memref<1000000xf32, #tpu.memory_space<hbm>> -> memref<62496xf32, #tpu.memory_space<hbm>>
    %dma_start3A_9 = arith.constant 0 : i32
    %dma_start3A_10 = tpu.memref_slice %arg4[%dma_start3A_9] : memref<62560xf32, #tpu.memory_space<vmem>> -> memref<62496xf32, #tpu.memory_space<vmem>>
    %dma_start3A_11 = tpu.memref_slice %arg2[%mul3A_6] : memref<1000000xf32, #tpu.memory_space<hbm>> -> memref<62496xf32, #tpu.memory_space<hbm>>
    tpu.enqueue_dma source(%dma_start3A_11 : memref<62496xf32, #tpu.memory_space<hbm>>) target(%dma_start3A_10 : memref<62496xf32, #tpu.memory_space<vmem>>) target_semaphore(%arg16 : memref<!tpu.dma_semaphore, #tpu.memory_space<semaphore_mem>>)
    %parallel_loop3A = arith.constant 0 : i32
    %parallel_loop3A_12 = arith.constant 1024 : i32
    %parallel_loop3A_13 = arith.constant 1 : i32
    scf.for %parallel_loop3A_92 = %parallel_loop3A to %parallel_loop3A_12 step %parallel_loop3A_13  : i32 {
      %parallel_loop3A_93 = arith.constant 16 : i32
      %parallel_loop3A_94 = arith.muli %parallel_loop3A_92, %parallel_loop3A_93 : i32
      %parallel_loop3A_95 = arith.index_cast %parallel_loop3A_94 : i32 to index
      %parallel_loop3A_96 = tpu.vector_load %arg5[%parallel_loop3A_95] {strides = array<i32>} : memref<16384xf32, #tpu.memory_space<vmem>>, vector<16xf32>,
      tpu.vector_store %arg5[%parallel_loop3A_95], %broadcast_in_dim3A_0 {strides = array<i32>} : memref<16384xf32, #tpu.memory_space<vmem>>, vector<16xf32>,
    } {sc.loop_unroll_factor = 8 : i64, sc.parallel_access}
    %parallel_loop3A_14 = arith.constant 0 : i32
    %parallel_loop3A_15 = arith.constant 64 : i32
    %parallel_loop3A_16 = arith.constant 1 : i32
    scf.for %parallel_loop3A_92 = %parallel_loop3A_14 to %parallel_loop3A_15 step %parallel_loop3A_16  : i32 {
      %parallel_loop3A_93 = arith.index_cast %parallel_loop3A_92 : i32 to index
      %parallel_loop3A_94 = arith.constant 0 : index
      %parallel_loop3A_95 = tpu.vector_load %arg7[%parallel_loop3A_93, %parallel_loop3A_94] {strides = array<i32>} : memref<64x16xf32, #tpu.memory_space<vmem>>, vector<16xf32>,
      tpu.vector_store %arg7[%parallel_loop3A_93, %parallel_loop3A_94], %broadcast_in_dim3A_0 {strides = array<i32>} : memref<64x16xf32, #tpu.memory_space<vmem>>, vector<16xf32>,
    } {sc.loop_unroll_factor = 4 : i64, sc.parallel_access}
    %add3A = arith.constant 0 : i32
    %add3A_17 = vector.broadcast %add3A : i32 to vector<16xi32>
    %add3A_18 = arith.addi %iota3A, %add3A_17 : vector<16xi32>
    %swap3A = arith.constant 0 : index
    %swap3A_19 = tpu.vector_load %arg11[%swap3A] {strides = array<i32>} : memref<64xi32, #tpu.memory_space<vmem>>, vector<16xi32>,
    tpu.vector_store %arg11[%swap3A], %add3A_18 {strides = array<i32>} : memref<64xi32, #tpu.memory_space<vmem>>, vector<16xi32>,
    %add3A_20 = arith.constant 16 : i32
    %add3A_21 = vector.broadcast %add3A_20 : i32 to vector<16xi32>
    %add3A_22 = arith.addi %iota3A, %add3A_21 : vector<16xi32>
    %swap3A_23 = arith.constant 16 : index
    %swap3A_24 = tpu.vector_load %arg11[%swap3A_23] {strides = array<i32>} : memref<64xi32, #tpu.memory_space<vmem>>, vector<16xi32>,
    tpu.vector_store %arg11[%swap3A_23], %add3A_22 {strides = array<i32>} : memref<64xi32, #tpu.memory_space<vmem>>, vector<16xi32>,
    %add3A_25 = arith.constant 32 : i32
    %add3A_26 = vector.broadcast %add3A_25 : i32 to vector<16xi32>
    %add3A_27 = arith.addi %iota3A, %add3A_26 : vector<16xi32>
    %swap3A_28 = arith.constant 32 : index
    %swap3A_29 = tpu.vector_load %arg11[%swap3A_28] {strides = array<i32>} : memref<64xi32, #tpu.memory_space<vmem>>, vector<16xi32>,
    tpu.vector_store %arg11[%swap3A_28], %add3A_27 {strides = array<i32>} : memref<64xi32, #tpu.memory_space<vmem>>, vector<16xi32>,
    %add3A_30 = arith.constant 48 : i32
    %add3A_31 = vector.broadcast %add3A_30 : i32 to vector<16xi32>
    %add3A_32 = arith.addi %iota3A, %add3A_31 : vector<16xi32>
    %swap3A_33 = arith.constant 48 : index
    %swap3A_34 = tpu.vector_load %arg11[%swap3A_33] {strides = array<i32>} : memref<64xi32, #tpu.memory_space<vmem>>, vector<16xi32>,
    tpu.vector_store %arg11[%swap3A_33], %add3A_32 {strides = array<i32>} : memref<64xi32, #tpu.memory_space<vmem>>, vector<16xi32>,
    %eq3A = arith.constant 0 : i32
    %eq3A_35 = arith.cmpi eq, %arg1, %eq3A : i32
    %convert_element_type3A = arith.extui %eq3A_35 : i1 to i32
    %cond3A = arith.constant 0 : i32
    %cond3A_36 = arith.cmpi ne, %convert_element_type3A, %cond3A : i32
    scf.if %cond3A_36 {
      "tpu.region"() ({
        %run_scoped3A = tpu.sem_alloc : memref<!tpu.dma_semaphore, #tpu.memory_space<semaphore_mem>>
        tpu.enqueue_dma source(%arg7 : memref<64x16xf32, #tpu.memory_space<vmem>>) target(%arg12 : memref<64x16xf32, #tpu.memory_space<vmem_shared>>) target_semaphore(%run_scoped3A : memref<!tpu.dma_semaphore, #tpu.memory_space<semaphore_mem>>)
        tpu.wait_dma2 semaphore(%run_scoped3A : memref<!tpu.dma_semaphore, #tpu.memory_space<semaphore_mem>>) src(%arg7 : memref<64x16xf32, #tpu.memory_space<vmem>>) dst(%arg12 : memref<64x16xf32, #tpu.memory_space<vmem_shared>>)
        tpu.yield
      }) : () -> ()
      "tpu.region"() ({
        %run_scoped3A = tpu.sem_alloc : memref<!tpu.dma_semaphore, #tpu.memory_space<semaphore_mem>>
        tpu.enqueue_dma source(%arg7 : memref<64x16xf32, #tpu.memory_space<vmem>>) target(%arg13 : memref<64x16xf32, #tpu.memory_space<vmem_shared>>) target_semaphore(%run_scoped3A : memref<!tpu.dma_semaphore, #tpu.memory_space<semaphore_mem>>)
        tpu.wait_dma2 semaphore(%run_scoped3A : memref<!tpu.dma_semaphore, #tpu.memory_space<semaphore_mem>>) src(%arg7 : memref<64x16xf32, #tpu.memory_space<vmem>>) dst(%arg13 : memref<64x16xf32, #tpu.memory_space<vmem_shared>>)
        tpu.yield
      }) : () -> ()
      "tpu.region"() ({
        %run_scoped3A = tpu.sem_alloc : memref<!tpu.dma_semaphore, #tpu.memory_space<semaphore_mem>>
        %dma_start3A_92 = arith.constant 0 : i32
        %dma_start3A_93 = arith.constant 0 : i32
        %dma_start3A_94 = tpu.memref_slice %arg7[%dma_start3A_92, %dma_start3A_93] : memref<64x16xf32, #tpu.memory_space<vmem>> -> memref<16x16xf32, #tpu.memory_space<vmem>>
        %dma_start3A_95 = arith.constant 0 : i32
        %dma_start3A_96 = arith.constant 0 : i32
        %dma_start3A_97 = tpu.memref_slice %arg7[%dma_start3A_95, %dma_start3A_96] : memref<64x16xf32, #tpu.memory_space<vmem>> -> memref<16x16xf32, #tpu.memory_space<vmem>>
        tpu.enqueue_dma source(%dma_start3A_97 : memref<16x16xf32, #tpu.memory_space<vmem>>) target(%arg15 : memref<16x16xf32, #tpu.memory_space<vmem_shared>>) target_semaphore(%run_scoped3A : memref<!tpu.dma_semaphore, #tpu.memory_space<semaphore_mem>>)
        %dma_wait3A_98 = arith.constant 0 : i32
        %dma_wait3A_99 = arith.constant 0 : i32
        %dma_wait3A_100 = tpu.memref_slice %arg7[%dma_wait3A_98, %dma_wait3A_99] : memref<64x16xf32, #tpu.memory_space<vmem>> -> memref<16x16xf32, #tpu.memory_space<vmem>>
        %dma_wait3A_101 = arith.constant 0 : i32
        %dma_wait3A_102 = arith.constant 0 : i32
        %dma_wait3A_103 = tpu.memref_slice %arg7[%dma_wait3A_101, %dma_wait3A_102] : memref<64x16xf32, #tpu.memory_space<vmem>> -> memref<16x16xf32, #tpu.memory_space<vmem>>
        tpu.wait_dma2 semaphore(%run_scoped3A : memref<!tpu.dma_semaphore, #tpu.memory_space<semaphore_mem>>) src(%dma_wait3A_103 : memref<16x16xf32, #tpu.memory_space<vmem>>) dst(%arg15 : memref<16x16xf32, #tpu.memory_space<vmem_shared>>)
        tpu.yield
      }) : () -> ()
    } else {
    }
    %eq3A_37 = arith.constant 15 : i32
    %eq3A_38 = arith.cmpi eq, %arg1, %eq3A_37 : i32
    %convert_element_type3A_39 = arith.extui %eq3A_38 : i1 to i32
    %cond3A_40 = arith.constant 0 : i32
    %cond3A_41 = arith.cmpi ne, %convert_element_type3A_39, %cond3A_40 : i32
    scf.if %cond3A_41 {
      "tpu.region"() ({
        %run_scoped3A = tpu.sem_alloc : memref<!tpu.dma_semaphore, #tpu.memory_space<semaphore_mem>>
        %dma_start3A_92 = arith.constant 62496 : i32
        %dma_start3A_93 = tpu.memref_slice %arg4[%dma_start3A_92] : memref<62560xf32, #tpu.memory_space<vmem>> -> memref<64xf32, #tpu.memory_space<vmem>>
        %dma_start3A_94 = arith.constant 999936 : i32
        %dma_start3A_95 = tpu.memref_slice %arg2[%dma_start3A_94] : memref<1000000xf32, #tpu.memory_space<hbm>> -> memref<64xf32, #tpu.memory_space<hbm>>
        %dma_start3A_96 = arith.constant 62496 : i32
        %dma_start3A_97 = tpu.memref_slice %arg4[%dma_start3A_96] : memref<62560xf32, #tpu.memory_space<vmem>> -> memref<64xf32, #tpu.memory_space<vmem>>
        %dma_start3A_98 = arith.constant 999936 : i32
        %dma_start3A_99 = tpu.memref_slice %arg2[%dma_start3A_98] : memref<1000000xf32, #tpu.memory_space<hbm>> -> memref<64xf32, #tpu.memory_space<hbm>>
        tpu.enqueue_dma source(%dma_start3A_99 : memref<64xf32, #tpu.memory_space<hbm>>) target(%dma_start3A_97 : memref<64xf32, #tpu.memory_space<vmem>>) target_semaphore(%run_scoped3A : memref<!tpu.dma_semaphore, #tpu.memory_space<semaphore_mem>>)
        %dma_wait3A_100 = arith.constant 62496 : i32
        %dma_wait3A_101 = tpu.memref_slice %arg4[%dma_wait3A_100] : memref<62560xf32, #tpu.memory_space<vmem>> -> memref<64xf32, #tpu.memory_space<vmem>>
        %dma_wait3A_102 = arith.constant 999936 : i32
        %dma_wait3A_103 = tpu.memref_slice %arg2[%dma_wait3A_102] : memref<1000000xf32, #tpu.memory_space<hbm>> -> memref<64xf32, #tpu.memory_space<hbm>>
        %dma_wait3A_104 = arith.constant 62496 : i32
        %dma_wait3A_105 = tpu.memref_slice %arg4[%dma_wait3A_104] : memref<62560xf32, #tpu.memory_space<vmem>> -> memref<64xf32, #tpu.memory_space<vmem>>
        %dma_wait3A_106 = arith.constant 999936 : i32
        %dma_wait3A_107 = tpu.memref_slice %arg2[%dma_wait3A_106] : memref<1000000xf32, #tpu.memory_space<hbm>> -> memref<64xf32, #tpu.memory_space<hbm>>
        tpu.wait_dma2 semaphore(%run_scoped3A : memref<!tpu.dma_semaphore, #tpu.memory_space<semaphore_mem>>) src(%dma_wait3A_107 : memref<64xf32, #tpu.memory_space<hbm>>) dst(%dma_wait3A_105 : memref<64xf32, #tpu.memory_space<vmem>>)
        tpu.yield
      }) : () -> ()
    } else {
    }
    %barrier3A = arith.constant 0 : index
    tpu.barrier barrier_id(%barrier3A)
    %dma_wait3A = arith.constant 0 : i32
    %dma_wait3A_42 = tpu.memref_slice %arg4[%dma_wait3A] : memref<62560xf32, #tpu.memory_space<vmem>> -> memref<62496xf32, #tpu.memory_space<vmem>>
    %dma_wait3A_43 = tpu.memref_slice %arg2[%mul3A_6] : memref<1000000xf32, #tpu.memory_space<hbm>> -> memref<62496xf32, #tpu.memory_space<hbm>>
    %dma_wait3A_44 = arith.constant 0 : i32
    %dma_wait3A_45 = tpu.memref_slice %arg4[%dma_wait3A_44] : memref<62560xf32, #tpu.memory_space<vmem>> -> memref<62496xf32, #tpu.memory_space<vmem>>
    %dma_wait3A_46 = tpu.memref_slice %arg2[%mul3A_6] : memref<1000000xf32, #tpu.memory_space<hbm>> -> memref<62496xf32, #tpu.memory_space<hbm>>
    tpu.wait_dma2 semaphore(%arg16 : memref<!tpu.dma_semaphore, #tpu.memory_space<semaphore_mem>>) src(%dma_wait3A_46 : memref<62496xf32, #tpu.memory_space<hbm>>) dst(%dma_wait3A_45 : memref<62496xf32, #tpu.memory_space<vmem>>)
    %eq3A_47 = arith.constant 15 : i32
    %eq3A_48 = arith.cmpi eq, %arg1, %eq3A_47 : i32
    %jit3A = arith.constant 3910 : i32
    %jit3A_49 = arith.constant 3906 : i32
    %select_n3A = arith.select %eq3A_48, %jit3A, %jit3A_49 : i32
    %add3A_50 = arith.constant 512 : i32
    %add3A_51 = vector.broadcast %add3A_50 : i32 to vector<16xi32>
    %add3A_52 = arith.addi %mul3A_4, %add3A_51 : vector<16xi32>
    %parallel_loop3A_53 = arith.constant 0 : i32
    %parallel_loop3A_54 = arith.constant 1 : i32
    scf.for %parallel_loop3A_92 = %parallel_loop3A_53 to %select_n3A step %parallel_loop3A_54  : i32 {
      %parallel_loop3A_93 = arith.constant 16 : i32
      %parallel_loop3A_94 = arith.muli %parallel_loop3A_92, %parallel_loop3A_93 : i32
      %parallel_loop3A_95 = arith.index_cast %parallel_loop3A_94 : i32 to index
      %parallel_loop3A_96 = tpu.vector_load %arg4[%parallel_loop3A_95] {strides = array<i32>} : memref<62560xf32, #tpu.memory_space<vmem>>, vector<16xf32>,
      %parallel_loop3A_97 = tpu.bitcast %parallel_loop3A_96 : vector<16xf32> -> vector<16xi32>
      %parallel_loop3A_98 = arith.constant 31 : i32
      %parallel_loop3A_99 = vector.broadcast %parallel_loop3A_98 : i32 to vector<16xi32>
      %parallel_loop3A_100 = arith.shrsi %parallel_loop3A_97, %parallel_loop3A_99 : vector<16xi32>
      %parallel_loop3A_101 = arith.constant 1 : i32
      %parallel_loop3A_102 = vector.broadcast %parallel_loop3A_101 : i32 to vector<16xi32>
      %parallel_loop3A_103 = arith.shrui %parallel_loop3A_100, %parallel_loop3A_102 : vector<16xi32>
      %parallel_loop3A_104 = arith.xori %parallel_loop3A_97, %parallel_loop3A_103 : vector<16xi32>
      %parallel_loop3A_105 = arith.constant 22 : i32
      %parallel_loop3A_106 = vector.broadcast %parallel_loop3A_105 : i32 to vector<16xi32>
      %parallel_loop3A_107 = arith.shrsi %parallel_loop3A_104, %parallel_loop3A_106 : vector<16xi32>
      %parallel_loop3A_108 = arith.addi %add3A_52, %parallel_loop3A_107 : vector<16xi32>
      tpu.vector_store_idx %arg5[%parallel_loop3A_108], %broadcast_in_dim3A_2 {add = true} : memref<16384xf32, #tpu.memory_space<vmem>>[vector<16xi32>], vector<16xf32>,
    } {sc.loop_unroll_factor = 8 : i64, sc.parallel_access}
    %parallel_loop3A_55 = arith.constant 0 : i32
    %parallel_loop3A_56 = arith.constant 64 : i32
    %parallel_loop3A_57 = arith.constant 1 : i32
    scf.for %parallel_loop3A_92 = %parallel_loop3A_55 to %parallel_loop3A_56 step %parallel_loop3A_57  : i32 {
      %parallel_loop3A_93 = arith.constant 16 : i32
      %parallel_loop3A_94 = arith.muli %parallel_loop3A_92, %parallel_loop3A_93 : i32
      %parallel_loop3A_95 = arith.constant 0 : i32
      %parallel_loop3A_96 = arith.addi %parallel_loop3A_95, %parallel_loop3A_94 : i32
      %parallel_loop3A_97 = arith.index_cast %parallel_loop3A_96 : i32 to index
      %parallel_loop3A_98 = tpu.vector_load %arg5[%parallel_loop3A_97] {strides = array<i32>} : memref<16384xf32, #tpu.memory_space<vmem>>, vector<16xf32>,
      %parallel_loop3A_99 = arith.addf %broadcast_in_dim3A_0, %parallel_loop3A_98 : vector<16xf32>
      %parallel_loop3A_100 = arith.constant 16 : i32
      %parallel_loop3A_101 = arith.muli %parallel_loop3A_92, %parallel_loop3A_100 : i32
      %parallel_loop3A_102 = arith.constant 1024 : i32
      %parallel_loop3A_103 = arith.addi %parallel_loop3A_102, %parallel_loop3A_101 : i32
      %parallel_loop3A_104 = arith.index_cast %parallel_loop3A_103 : i32 to index
      %parallel_loop3A_105 = tpu.vector_load %arg5[%parallel_loop3A_104] {strides = array<i32>} : memref<16384xf32, #tpu.memory_space<vmem>>, vector<16xf32>,
      %parallel_loop3A_106 = arith.addf %parallel_loop3A_99, %parallel_loop3A_105 : vector<16xf32>
      %parallel_loop3A_107 = arith.constant 16 : i32
      %parallel_loop3A_108 = arith.muli %parallel_loop3A_92, %parallel_loop3A_107 : i32
      %parallel_loop3A_109 = arith.constant 2048 : i32
      %parallel_loop3A_110 = arith.addi %parallel_loop3A_109, %parallel_loop3A_108 : i32
      %parallel_loop3A_111 = arith.index_cast %parallel_loop3A_110 : i32 to index
      %parallel_loop3A_112 = tpu.vector_load %arg5[%parallel_loop3A_111] {strides = array<i32>} : memref<16384xf32, #tpu.memory_space<vmem>>, vector<16xf32>,
      %parallel_loop3A_113 = arith.addf %parallel_loop3A_106, %parallel_loop3A_112 : vector<16xf32>
      %parallel_loop3A_114 = arith.constant 16 : i32
      %parallel_loop3A_115 = arith.muli %parallel_loop3A_92, %parallel_loop3A_114 : i32
      %parallel_loop3A_116 = arith.constant 3072 : i32
      %parallel_loop3A_117 = arith.addi %parallel_loop3A_116, %parallel_loop3A_115 : i32
      %parallel_loop3A_118 = arith.index_cast %parallel_loop3A_117 : i32 to index
      %parallel_loop3A_119 = tpu.vector_load %arg5[%parallel_loop3A_118] {strides = array<i32>} : memref<16384xf32, #tpu.memory_space<vmem>>, vector<16xf32>,
      %parallel_loop3A_120 = arith.addf %parallel_loop3A_113, %parallel_loop3A_119 : vector<16xf32>
      %parallel_loop3A_121 = arith.constant 16 : i32
      %parallel_loop3A_122 = arith.muli %parallel_loop3A_92, %parallel_loop3A_121 : i32
      %parallel_loop3A_123 = arith.constant 4096 : i32
      %parallel_loop3A_124 = arith.addi %parallel_loop3A_123, %parallel_loop3A_122 : i32
      %parallel_loop3A_125 = arith.index_cast %parallel_loop3A_124 : i32 to index
      %parallel_loop3A_126 = tpu.vector_load %arg5[%parallel_loop3A_125] {strides = array<i32>} : memref<16384xf32, #tpu.memory_space<vmem>>, vector<16xf32>,
      %parallel_loop3A_127 = arith.addf %parallel_loop3A_120, %parallel_loop3A_126 : vector<16xf32>
      %parallel_loop3A_128 = arith.constant 16 : i32
      %parallel_loop3A_129 = arith.muli %parallel_loop3A_92, %parallel_loop3A_128 : i32
      %parallel_loop3A_130 = arith.constant 5120 : i32
      %parallel_loop3A_131 = arith.addi %parallel_loop3A_130, %parallel_loop3A_129 : i32
      %parallel_loop3A_132 = arith.index_cast %parallel_loop3A_131 : i32 to index
      %parallel_loop3A_133 = tpu.vector_load %arg5[%parallel_loop3A_132] {strides = array<i32>} : memref<16384xf32, #tpu.memory_space<vmem>>, vector<16xf32>,
      %parallel_loop3A_134 = arith.addf %parallel_loop3A_127, %parallel_loop3A_133 : vector<16xf32>
      %parallel_loop3A_135 = arith.constant 16 : i32
      %parallel_loop3A_136 = arith.muli %parallel_loop3A_92, %parallel_loop3A_135 : i32
      %parallel_loop3A_137 = arith.constant 6144 : i32
      %parallel_loop3A_138 = arith.addi %parallel_loop3A_137, %parallel_loop3A_136 : i32
      %parallel_loop3A_139 = arith.index_cast %parallel_loop3A_138 : i32 to index
      %parallel_loop3A_140 = tpu.vector_load %arg5[%parallel_loop3A_139] {strides = array<i32>} : memref<16384xf32, #tpu.memory_space<vmem>>, vector<16xf32>,
      %parallel_loop3A_141 = arith.addf %parallel_loop3A_134, %parallel_loop3A_140 : vector<16xf32>
      %parallel_loop3A_142 = arith.constant 16 : i32
      %parallel_loop3A_143 = arith.muli %parallel_loop3A_92, %parallel_loop3A_142 : i32
      %parallel_loop3A_144 = arith.constant 7168 : i32
      %parallel_loop3A_145 = arith.addi %parallel_loop3A_144, %parallel_loop3A_143 : i32
      %parallel_loop3A_146 = arith.index_cast %parallel_loop3A_145 : i32 to index
      %parallel_loop3A_147 = tpu.vector_load %arg5[%parallel_loop3A_146] {strides = array<i32>} : memref<16384xf32, #tpu.memory_space<vmem>>, vector<16xf32>,
      %parallel_loop3A_148 = arith.addf %parallel_loop3A_141, %parallel_loop3A_147 : vector<16xf32>
      %parallel_loop3A_149 = arith.constant 16 : i32
      %parallel_loop3A_150 = arith.muli %parallel_loop3A_92, %parallel_loop3A_149 : i32
      %parallel_loop3A_151 = arith.constant 8192 : i32
      %parallel_loop3A_152 = arith.addi %parallel_loop3A_151, %parallel_loop3A_150 : i32
      %parallel_loop3A_153 = arith.index_cast %parallel_loop3A_152 : i32 to index
      %parallel_loop3A_154 = tpu.vector_load %arg5[%parallel_loop3A_153] {strides = array<i32>} : memref<16384xf32, #tpu.memory_space<vmem>>, vector<16xf32>,
      %parallel_loop3A_155 = arith.addf %parallel_loop3A_148, %parallel_loop3A_154 : vector<16xf32>
      %parallel_loop3A_156 = arith.constant 16 : i32
      %parallel_loop3A_157 = arith.muli %parallel_loop3A_92, %parallel_loop3A_156 : i32
      %parallel_loop3A_158 = arith.constant 9216 : i32
      %parallel_loop3A_159 = arith.addi %parallel_loop3A_158, %parallel_loop3A_157 : i32
      %parallel_loop3A_160 = arith.index_cast %parallel_loop3A_159 : i32 to index
      %parallel_loop3A_161 = tpu.vector_load %arg5[%parallel_loop3A_160] {strides = array<i32>} : memref<16384xf32, #tpu.memory_space<vmem>>, vector<16xf32>,
      %parallel_loop3A_162 = arith.addf %parallel_loop3A_155, %parallel_loop3A_161 : vector<16xf32>
      %parallel_loop3A_163 = arith.constant 16 : i32
      %parallel_loop3A_164 = arith.muli %parallel_loop3A_92, %parallel_loop3A_163 : i32
      %parallel_loop3A_165 = arith.constant 10240 : i32
      %parallel_loop3A_166 = arith.addi %parallel_loop3A_165, %parallel_loop3A_164 : i32
      %parallel_loop3A_167 = arith.index_cast %parallel_loop3A_166 : i32 to index
      %parallel_loop3A_168 = tpu.vector_load %arg5[%parallel_loop3A_167] {strides = array<i32>} : memref<16384xf32, #tpu.memory_space<vmem>>, vector<16xf32>,
      %parallel_loop3A_169 = arith.addf %parallel_loop3A_162, %parallel_loop3A_168 : vector<16xf32>
      %parallel_loop3A_170 = arith.constant 16 : i32
      %parallel_loop3A_171 = arith.muli %parallel_loop3A_92, %parallel_loop3A_170 : i32
      %parallel_loop3A_172 = arith.constant 11264 : i32
      %parallel_loop3A_173 = arith.addi %parallel_loop3A_172, %parallel_loop3A_171 : i32
      %parallel_loop3A_174 = arith.index_cast %parallel_loop3A_173 : i32 to index
      %parallel_loop3A_175 = tpu.vector_load %arg5[%parallel_loop3A_174] {strides = array<i32>} : memref<16384xf32, #tpu.memory_space<vmem>>, vector<16xf32>,
      %parallel_loop3A_176 = arith.addf %parallel_loop3A_169, %parallel_loop3A_175 : vector<16xf32>
      %parallel_loop3A_177 = arith.constant 16 : i32
      %parallel_loop3A_178 = arith.muli %parallel_loop3A_92, %parallel_loop3A_177 : i32
      %parallel_loop3A_179 = arith.constant 12288 : i32
      %parallel_loop3A_180 = arith.addi %parallel_loop3A_179, %parallel_loop3A_178 : i32
      %parallel_loop3A_181 = arith.index_cast %parallel_loop3A_180 : i32 to index
      %parallel_loop3A_182 = tpu.vector_load %arg5[%parallel_loop3A_181] {strides = array<i32>} : memref<16384xf32, #tpu.memory_space<vmem>>, vector<16xf32>,
      %parallel_loop3A_183 = arith.addf %parallel_loop3A_176, %parallel_loop3A_182 : vector<16xf32>
      %parallel_loop3A_184 = arith.constant 16 : i32
      %parallel_loop3A_185 = arith.muli %parallel_loop3A_92, %parallel_loop3A_184 : i32
      %parallel_loop3A_186 = arith.constant 13312 : i32
      %parallel_loop3A_187 = arith.addi %parallel_loop3A_186, %parallel_loop3A_185 : i32
      %parallel_loop3A_188 = arith.index_cast %parallel_loop3A_187 : i32 to index
      %parallel_loop3A_189 = tpu.vector_load %arg5[%parallel_loop3A_188] {strides = array<i32>} : memref<16384xf32, #tpu.memory_space<vmem>>, vector<16xf32>,
      %parallel_loop3A_190 = arith.addf %parallel_loop3A_183, %parallel_loop3A_189 : vector<16xf32>
      %parallel_loop3A_191 = arith.constant 16 : i32
      %parallel_loop3A_192 = arith.muli %parallel_loop3A_92, %parallel_loop3A_191 : i32
      %parallel_loop3A_193 = arith.constant 14336 : i32
      %parallel_loop3A_194 = arith.addi %parallel_loop3A_193, %parallel_loop3A_192 : i32
      %parallel_loop3A_195 = arith.index_cast %parallel_loop3A_194 : i32 to index
      %parallel_loop3A_196 = tpu.vector_load %arg5[%parallel_loop3A_195] {strides = array<i32>} : memref<16384xf32, #tpu.memory_space<vmem>>, vector<16xf32>,
      %parallel_loop3A_197 = arith.addf %parallel_loop3A_190, %parallel_loop3A_196 : vector<16xf32>
      %parallel_loop3A_198 = arith.constant 16 : i32
      %parallel_loop3A_199 = arith.muli %parallel_loop3A_92, %parallel_loop3A_198 : i32
      %parallel_loop3A_200 = arith.constant 15360 : i32
      %parallel_loop3A_201 = arith.addi %parallel_loop3A_200, %parallel_loop3A_199 : i32
      %parallel_loop3A_202 = arith.index_cast %parallel_loop3A_201 : i32 to index
      %parallel_loop3A_203 = tpu.vector_load %arg5[%parallel_loop3A_202] {strides = array<i32>} : memref<16384xf32, #tpu.memory_space<vmem>>, vector<16xf32>,
      %parallel_loop3A_204 = arith.addf %parallel_loop3A_197, %parallel_loop3A_203 : vector<16xf32>
      %parallel_loop3A_205 = arith.index_cast %parallel_loop3A_92 : i32 to index
      %parallel_loop3A_206 = arith.constant 0 : index
      %parallel_loop3A_207 = tpu.vector_load %arg7[%parallel_loop3A_205, %parallel_loop3A_206] {strides = array<i32>} : memref<64x16xf32, #tpu.memory_space<vmem>>, vector<16xf32>,
      tpu.vector_store %arg7[%parallel_loop3A_205, %parallel_loop3A_206], %parallel_loop3A_204 {strides = array<i32>} : memref<64x16xf32, #tpu.memory_space<vmem>>, vector<16xf32>,
    } {sc.loop_unroll_factor = 2 : i64, sc.parallel_access}
    "tpu.region"() ({
      %run_scoped3A = tpu.sem_alloc : memref<!tpu.dma_semaphore, #tpu.memory_space<semaphore_mem>>
      %dma_start3A_92 = arith.constant 0 : i32
      %dma_start3A_93 = arith.constant 0 : i32
      %dma_start3A_94 = tpu.memref_slice %arg12[%dma_start3A_92, %dma_start3A_93] : memref<64x16xf32, #tpu.memory_space<vmem_shared>> -> memref<64x16xf32, #tpu.memory_space<vmem_shared>>
      tpu.enqueue_indirect_dma source(%arg7 : memref<64x16xf32, #tpu.memory_space<vmem>>) target(%dma_start3A_94 : memref<64x16xf32, #tpu.memory_space<vmem_shared>>) offsets(%arg11 : memref<64xi32, #tpu.memory_space<vmem>>) semaphore(%run_scoped3A : memref<!tpu.dma_semaphore, #tpu.memory_space<semaphore_mem>>) {add = true}
      %dma_wait3A_95 = arith.constant 0 : i32
      %dma_wait3A_96 = arith.constant 0 : i32
      %dma_wait3A_97 = tpu.memref_slice %arg12[%dma_wait3A_95, %dma_wait3A_96] : memref<64x16xf32, #tpu.memory_space<vmem_shared>> -> memref<64x16xf32, #tpu.memory_space<vmem_shared>>
      tpu.wait_indirect_dma semaphore(%run_scoped3A : memref<!tpu.dma_semaphore, #tpu.memory_space<semaphore_mem>>) src(%arg7 : memref<64x16xf32, #tpu.memory_space<vmem>>) dst(%dma_wait3A_97 : memref<64x16xf32, #tpu.memory_space<vmem_shared>>)
      tpu.yield
    }) : () -> ()
    %parallel_loop3A_58 = arith.constant 0 : i32
    %parallel_loop3A_59 = arith.constant 1024 : i32
    %parallel_loop3A_60 = arith.constant 1 : i32
    scf.for %parallel_loop3A_92 = %parallel_loop3A_58 to %parallel_loop3A_59 step %parallel_loop3A_60  : i32 {
      %parallel_loop3A_93 = arith.constant 16 : i32
      %parallel_loop3A_94 = arith.muli %parallel_loop3A_92, %parallel_loop3A_93 : i32
      %parallel_loop3A_95 = arith.index_cast %parallel_loop3A_94 : i32 to index
      %parallel_loop3A_96 = tpu.vector_load %arg5[%parallel_loop3A_95] {strides = array<i32>} : memref<16384xf32, #tpu.memory_space<vmem>>, vector<16xf32>,
      tpu.vector_store %arg5[%parallel_loop3A_95], %broadcast_in_dim3A_0 {strides = array<i32>} : memref<16384xf32, #tpu.memory_space<vmem>>, vector<16xf32>,
    } {sc.loop_unroll_factor = 8 : i64, sc.parallel_access}
    %barrier3A_61 = arith.constant 0 : index
    tpu.barrier barrier_id(%barrier3A_61)
    "tpu.region"() ({
      %run_scoped3A = tpu.sem_alloc : memref<!tpu.dma_semaphore, #tpu.memory_space<semaphore_mem>>
      tpu.enqueue_dma source(%arg12 : memref<64x16xf32, #tpu.memory_space<vmem_shared>>) target(%arg7 : memref<64x16xf32, #tpu.memory_space<vmem>>) target_semaphore(%run_scoped3A : memref<!tpu.dma_semaphore, #tpu.memory_space<semaphore_mem>>)
      tpu.wait_dma2 semaphore(%run_scoped3A : memref<!tpu.dma_semaphore, #tpu.memory_space<semaphore_mem>>) src(%arg12 : memref<64x16xf32, #tpu.memory_space<vmem_shared>>) dst(%arg7 : memref<64x16xf32, #tpu.memory_space<vmem>>)
      tpu.yield
    }) : () -> ()
    %broadcast_in_dim3A_62 = arith.constant 0.000000e+00 : f32
    %broadcast_in_dim3A_63 = vector.broadcast %broadcast_in_dim3A_62 : f32 to vector<16xf32>
    %scan3A = arith.constant 5.000000e+05 : f32
    %scan3A_64 = arith.constant 0.000000e+00 : f32
    %scan3A_65 = arith.constant 0 : i32
    %scan3A_66 = arith.constant 0.000000e+00 : f32
    %scan3A_67 = arith.constant 0.000000e+00 : f32
    %scan3A_68 = arith.constant 0 : i32
    %scan3A_69 = arith.constant 64 : i32
    %scan3A_70 = arith.addi %scan3A_68, %scan3A_69 : i32
    %scan3A_71 = arith.constant 1 : i32
    %scan3A_72:4 = scf.for %scan3A_92 = %scan3A_68 to %scan3A_70 step %scan3A_71 iter_args(%scan3A_93 = %scan3A_64, %scan3A_94 = %scan3A_65, %scan3A_95 = %scan3A_66, %scan3A_96 = %scan3A_67) -> (f32, i32, f32, f32)  : i32 {
      %sub3A_97 = arith.constant 63 : i32
      %sub3A_98 = arith.subi %sub3A_97, %scan3A_92 : i32
      %get3A = arith.index_cast %sub3A_98 : i32 to index
      %get3A_99 = arith.constant 0 : index
      %get3A_100 = tpu.vector_load %arg7[%get3A, %get3A_99] {strides = array<i32>} : memref<64x16xf32, #tpu.memory_space<vmem>>, vector<16xf32>,
      %rev3A = arith.constant 15 : i32
      %rev3A_101 = vector.broadcast %rev3A : i32 to vector<16xi32>
      %rev3A_102 = tpu.iota {dimensions = array<i32: 0>} : vector<16xi32>
      %rev3A_103 = arith.subi %rev3A_101, %rev3A_102 : vector<16xi32>
      %rev3A_104 = tpu.dynamic_gather %get3A_100[%rev3A_103] in [0] : vector<16xf32>, vector<16xi32> -> vector<16xf32>
      %cumsum3A = arith.constant true
      %cumsum3A_105 = vector.broadcast %cumsum3A : i1 to vector<16xi1>
      %cumsum3A_106 = tpu.scan <sum>, %rev3A_104 masked %cumsum3A_105 : vector<16xf32>, vector<16xi1> -> vector<16xf32>
      %slice3A = vector.extract_strided_slice %cumsum3A_106 {offsets = [15], sizes = [1], strides = [1]} : vector<16xf32> to vector<1xf32>
      %squeeze3A = vector.extract %slice3A[0] : f32 from vector<1xf32>
      %lt3A = arith.cmpf olt, %scan3A_93, %scan3A : f32
      %add3A_107 = arith.addf %scan3A_93, %squeeze3A : f32
      %ge3A = arith.cmpf oge, %add3A_107, %scan3A : f32
      %and3A = arith.andi %lt3A, %ge3A : i1
      %convert_element_type3A_108 = arith.extui %and3A : i1 to i32
      %cond3A_109 = arith.constant 0 : i32
      %cond3A_110 = arith.cmpi ne, %convert_element_type3A_108, %cond3A_109 : i32
      %cond3A_111:3 = scf.if %cond3A_110 -> (i32, f32, f32) {
        %add3A_113 = vector.broadcast %scan3A_93 : f32 to vector<16xf32>
        %add3A_114 = arith.addf %add3A_113, %cumsum3A_106 : vector<16xf32>
        %ge3A_115 = vector.broadcast %scan3A : f32 to vector<16xf32>
        %ge3A_116 = arith.cmpf oge, %add3A_114, %ge3A_115 : vector<16xf32>
        %all_reduce_ffs3A = tpu.all_reduce %ge3A_116 {dim = 0 : i64, kind = #tpu.reduction_kind<find_first_set>} : vector<16xi1> -> vector<16xi32>
        %eq3A_117 = arith.cmpi eq, %iota3A, %all_reduce_ffs3A : vector<16xi32>
        %slice3A_118 = vector.extract_strided_slice %all_reduce_ffs3A {offsets = [0], sizes = [1], strides = [1]} : vector<16xi32> to vector<1xi32>
        %squeeze3A_119 = vector.extract %slice3A_118[0] : i32 from vector<1xi32>
        %mul3A_120 = arith.constant 16 : i32
        %mul3A_121 = arith.muli %sub3A_98, %mul3A_120 : i32
        %add3A_122 = arith.constant 15 : i32
        %add3A_123 = arith.addi %mul3A_121, %add3A_122 : i32
        %sub3A_124 = arith.subi %add3A_123, %squeeze3A_119 : i32
        %sub3A_125 = arith.subf %cumsum3A_106, %rev3A_104 : vector<16xf32>
        %select_n3A_126 = arith.select %eq3A_117, %sub3A_125, %broadcast_in_dim3A_63 : vector<16xi1>, vector<16xf32>
        %reduce_sum3A = arith.constant true
        %reduce_sum3A_127 = vector.broadcast %reduce_sum3A : i1 to vector<16xi1>
        %reduce_sum3A_128 = tpu.scan <sum>, %select_n3A_126 masked %reduce_sum3A_127 : vector<16xf32>, vector<16xi1> -> vector<16xf32>
        %reduce_sum3A_129 = vector.extract %reduce_sum3A_128[15] : f32 from vector<16xf32>
        %add3A_130 = arith.addf %scan3A_93, %reduce_sum3A_129 : f32
        %select_n3A_131 = arith.select %eq3A_117, %rev3A_104, %broadcast_in_dim3A_63 : vector<16xi1>, vector<16xf32>
        %reduce_sum3A_132 = arith.constant true
        %reduce_sum3A_133 = vector.broadcast %reduce_sum3A_132 : i1 to vector<16xi1>
        %reduce_sum3A_134 = tpu.scan <sum>, %select_n3A_131 masked %reduce_sum3A_133 : vector<16xf32>, vector<16xi1> -> vector<16xf32>
        %reduce_sum3A_135 = vector.extract %reduce_sum3A_134[15] : f32 from vector<16xf32>
        scf.yield %sub3A_124, %add3A_130, %reduce_sum3A_135 : i32, f32, f32
      } else {
        scf.yield %scan3A_94, %scan3A_95, %scan3A_96 : i32, f32, f32
      }
      %add3A_112 = arith.addf %scan3A_93, %squeeze3A : f32
      scf.yield %add3A_112, %cond3A_111#0, %cond3A_111#1, %cond3A_111#2 : f32, i32, f32, f32
    }
    %scan3A_73 = arith.constant 64 : i32
    %sub3A = arith.constant 5.000000e+05 : f32
    %sub3A_74 = arith.subf %sub3A, %scan3A_72#2 : f32
    %sub3A_75 = arith.constant 512 : i32
    %sub3A_76 = arith.subi %scan3A_72#1, %sub3A_75 : i32
    %parallel_loop3A_77 = arith.constant 0 : i32
    %parallel_loop3A_78 = arith.constant 1 : i32
    %parallel_loop3A_79 = scf.for %parallel_loop3A_92 = %parallel_loop3A_77 to %select_n3A step %parallel_loop3A_78 iter_args(%parallel_loop3A_93 = %broadcast_in_dim3A_0) -> (vector<16xf32>)  : i32 {
      %parallel_loop3A_94 = arith.constant 16 : i32
      %parallel_loop3A_95 = arith.muli %parallel_loop3A_92, %parallel_loop3A_94 : i32
      %parallel_loop3A_96 = arith.index_cast %parallel_loop3A_95 : i32 to index
      %parallel_loop3A_97 = tpu.vector_load %arg4[%parallel_loop3A_96] {strides = array<i32>} : memref<62560xf32, #tpu.memory_space<vmem>>, vector<16xf32>,
      %parallel_loop3A_98 = tpu.bitcast %parallel_loop3A_97 : vector<16xf32> -> vector<16xi32>
      %parallel_loop3A_99 = arith.constant 31 : i32
      %parallel_loop3A_100 = vector.broadcast %parallel_loop3A_99 : i32 to vector<16xi32>
      %parallel_loop3A_101 = arith.shrsi %parallel_loop3A_98, %parallel_loop3A_100 : vector<16xi32>
      %parallel_loop3A_102 = arith.constant 1 : i32
      %parallel_loop3A_103 = vector.broadcast %parallel_loop3A_102 : i32 to vector<16xi32>
      %parallel_loop3A_104 = arith.shrui %parallel_loop3A_101, %parallel_loop3A_103 : vector<16xi32>
      %parallel_loop3A_105 = arith.xori %parallel_loop3A_98, %parallel_loop3A_104 : vector<16xi32>
      %parallel_loop3A_106 = arith.constant 22 : i32
      %parallel_loop3A_107 = vector.broadcast %parallel_loop3A_106 : i32 to vector<16xi32>
      %parallel_loop3A_108 = arith.shrsi %parallel_loop3A_105, %parallel_loop3A_107 : vector<16xi32>
      %parallel_loop3A_109 = vector.broadcast %sub3A_76 : i32 to vector<16xi32>
      %parallel_loop3A_110 = arith.cmpi sgt, %parallel_loop3A_108, %parallel_loop3A_109 : vector<16xi32>
      %parallel_loop3A_111 = arith.select %parallel_loop3A_110, %parallel_loop3A_97, %broadcast_in_dim3A_0 : vector<16xi1>, vector<16xf32>
      %parallel_loop3A_112 = arith.addf %parallel_loop3A_93, %parallel_loop3A_111 : vector<16xf32>
      %parallel_loop3A_113 = vector.broadcast %sub3A_76 : i32 to vector<16xi32>
      %parallel_loop3A_114 = arith.cmpi eq, %parallel_loop3A_108, %parallel_loop3A_113 : vector<16xi32>
      %parallel_loop3A_115 = arith.constant 12 : i32
      %parallel_loop3A_116 = vector.broadcast %parallel_loop3A_115 : i32 to vector<16xi32>
      %parallel_loop3A_117 = arith.shrsi %parallel_loop3A_105, %parallel_loop3A_116 : vector<16xi32>
      %parallel_loop3A_118 = arith.constant 1023 : i32
      %parallel_loop3A_119 = vector.broadcast %parallel_loop3A_118 : i32 to vector<16xi32>
      %parallel_loop3A_120 = arith.andi %parallel_loop3A_117, %parallel_loop3A_119 : vector<16xi32>
      %parallel_loop3A_121 = arith.addi %mul3A_4, %parallel_loop3A_120 : vector<16xi32>
      tpu.vector_store_idx %arg5[%parallel_loop3A_121], %broadcast_in_dim3A_2 masked %parallel_loop3A_114 {add = true} : memref<16384xf32, #tpu.memory_space<vmem>>[vector<16xi32>], vector<16xf32>, vector<16xi1>
      scf.yield %parallel_loop3A_112 : vector<16xf32>
    } {sc.loop_unroll_factor = 8 : i64, sc.parallel_access}
    %parallel_loop3A_80 = arith.constant 0 : i32
    %parallel_loop3A_81 = arith.constant 64 : i32
    %parallel_loop3A_82 = arith.constant 1 : i32
    scf.for %parallel_loop3A_92 = %parallel_loop3A_80 to %parallel_loop3A_81 step %parallel_loop3A_82  : i32 {
      %parallel_loop3A_93 = arith.constant 16 : i32
      %parallel_loop3A_94 = arith.muli %parallel_loop3A_92, %parallel_loop3A_93 : i32
      %parallel_loop3A_95 = arith.constant 0 : i32
      %parallel_loop3A_96 = arith.addi %parallel_loop3A_95, %parallel_loop3A_94 : i32
      %parallel_loop3A_97 = arith.index_cast %parallel_loop3A_96 : i32 to index
      %parallel_loop3A_98 = tpu.vector_load %arg5[%parallel_loop3A_97] {strides = array<i32>} : memref<16384xf32, #tpu.memory_space<vmem>>, vector<16xf32>,
      %parallel_loop3A_99 = arith.addf %broadcast_in_dim3A_0, %parallel_loop3A_98 : vector<16xf32>
      %parallel_loop3A_100 = arith.constant 16 : i32
      %parallel_loop3A_101 = arith.muli %parallel_loop3A_92, %parallel_loop3A_100 : i32
      %parallel_loop3A_102 = arith.constant 1024 : i32
      %parallel_loop3A_103 = arith.addi %parallel_loop3A_102, %parallel_loop3A_101 : i32
      %parallel_loop3A_104 = arith.index_cast %parallel_loop3A_103 : i32 to index
      %parallel_loop3A_105 = tpu.vector_load %arg5[%parallel_loop3A_104] {strides = array<i32>} : memref<16384xf32, #tpu.memory_space<vmem>>, vector<16xf32>,
      %parallel_loop3A_106 = arith.addf %parallel_loop3A_99, %parallel_loop3A_105 : vector<16xf32>
      %parallel_loop3A_107 = arith.constant 16 : i32
      %parallel_loop3A_108 = arith.muli %parallel_loop3A_92, %parallel_loop3A_107 : i32
      %parallel_loop3A_109 = arith.constant 2048 : i32
      %parallel_loop3A_110 = arith.addi %parallel_loop3A_109, %parallel_loop3A_108 : i32
      %parallel_loop3A_111 = arith.index_cast %parallel_loop3A_110 : i32 to index
      %parallel_loop3A_112 = tpu.vector_load %arg5[%parallel_loop3A_111] {strides = array<i32>} : memref<16384xf32, #tpu.memory_space<vmem>>, vector<16xf32>,
      %parallel_loop3A_113 = arith.addf %parallel_loop3A_106, %parallel_loop3A_112 : vector<16xf32>
      %parallel_loop3A_114 = arith.constant 16 : i32
      %parallel_loop3A_115 = arith.muli %parallel_loop3A_92, %parallel_loop3A_114 : i32
      %parallel_loop3A_116 = arith.constant 3072 : i32
      %parallel_loop3A_117 = arith.addi %parallel_loop3A_116, %parallel_loop3A_115 : i32
      %parallel_loop3A_118 = arith.index_cast %parallel_loop3A_117 : i32 to index
      %parallel_loop3A_119 = tpu.vector_load %arg5[%parallel_loop3A_118] {strides = array<i32>} : memref<16384xf32, #tpu.memory_space<vmem>>, vector<16xf32>,
      %parallel_loop3A_120 = arith.addf %parallel_loop3A_113, %parallel_loop3A_119 : vector<16xf32>
      %parallel_loop3A_121 = arith.constant 16 : i32
      %parallel_loop3A_122 = arith.muli %parallel_loop3A_92, %parallel_loop3A_121 : i32
      %parallel_loop3A_123 = arith.constant 4096 : i32
      %parallel_loop3A_124 = arith.addi %parallel_loop3A_123, %parallel_loop3A_122 : i32
      %parallel_loop3A_125 = arith.index_cast %parallel_loop3A_124 : i32 to index
      %parallel_loop3A_126 = tpu.vector_load %arg5[%parallel_loop3A_125] {strides = array<i32>} : memref<16384xf32, #tpu.memory_space<vmem>>, vector<16xf32>,
      %parallel_loop3A_127 = arith.addf %parallel_loop3A_120, %parallel_loop3A_126 : vector<16xf32>
      %parallel_loop3A_128 = arith.constant 16 : i32
      %parallel_loop3A_129 = arith.muli %parallel_loop3A_92, %parallel_loop3A_128 : i32
      %parallel_loop3A_130 = arith.constant 5120 : i32
      %parallel_loop3A_131 = arith.addi %parallel_loop3A_130, %parallel_loop3A_129 : i32
      %parallel_loop3A_132 = arith.index_cast %parallel_loop3A_131 : i32 to index
      %parallel_loop3A_133 = tpu.vector_load %arg5[%parallel_loop3A_132] {strides = array<i32>} : memref<16384xf32, #tpu.memory_space<vmem>>, vector<16xf32>,
      %parallel_loop3A_134 = arith.addf %parallel_loop3A_127, %parallel_loop3A_133 : vector<16xf32>
      %parallel_loop3A_135 = arith.constant 16 : i32
      %parallel_loop3A_136 = arith.muli %parallel_loop3A_92, %parallel_loop3A_135 : i32
      %parallel_loop3A_137 = arith.constant 6144 : i32
      %parallel_loop3A_138 = arith.addi %parallel_loop3A_137, %parallel_loop3A_136 : i32
      %parallel_loop3A_139 = arith.index_cast %parallel_loop3A_138 : i32 to index
      %parallel_loop3A_140 = tpu.vector_load %arg5[%parallel_loop3A_139] {strides = array<i32>} : memref<16384xf32, #tpu.memory_space<vmem>>, vector<16xf32>,
      %parallel_loop3A_141 = arith.addf %parallel_loop3A_134, %parallel_loop3A_140 : vector<16xf32>
      %parallel_loop3A_142 = arith.constant 16 : i32
      %parallel_loop3A_143 = arith.muli %parallel_loop3A_92, %parallel_loop3A_142 : i32
      %parallel_loop3A_144 = arith.constant 7168 : i32
      %parallel_loop3A_145 = arith.addi %parallel_loop3A_144, %parallel_loop3A_143 : i32
      %parallel_loop3A_146 = arith.index_cast %parallel_loop3A_145 : i32 to index
      %parallel_loop3A_147 = tpu.vector_load %arg5[%parallel_loop3A_146] {strides = array<i32>} : memref<16384xf32, #tpu.memory_space<vmem>>, vector<16xf32>,
      %parallel_loop3A_148 = arith.addf %parallel_loop3A_141, %parallel_loop3A_147 : vector<16xf32>
      %parallel_loop3A_149 = arith.constant 16 : i32
      %parallel_loop3A_150 = arith.muli %parallel_loop3A_92, %parallel_loop3A_149 : i32
      %parallel_loop3A_151 = arith.constant 8192 : i32
      %parallel_loop3A_152 = arith.addi %parallel_loop3A_151, %parallel_loop3A_150 : i32
      %parallel_loop3A_153 = arith.index_cast %parallel_loop3A_152 : i32 to index
      %parallel_loop3A_154 = tpu.vector_load %arg5[%parallel_loop3A_153] {strides = array<i32>} : memref<16384xf32, #tpu.memory_space<vmem>>, vector<16xf32>,
      %parallel_loop3A_155 = arith.addf %parallel_loop3A_148, %parallel_loop3A_154 : vector<16xf32>
      %parallel_loop3A_156 = arith.constant 16 : i32
      %parallel_loop3A_157 = arith.muli %parallel_loop3A_92, %parallel_loop3A_156 : i32
      %parallel_loop3A_158 = arith.constant 9216 : i32
      %parallel_loop3A_159 = arith.addi %parallel_loop3A_158, %parallel_loop3A_157 : i32
      %parallel_loop3A_160 = arith.index_cast %parallel_loop3A_159 : i32 to index
      %parallel_loop3A_161 = tpu.vector_load %arg5[%parallel_loop3A_160] {strides = array<i32>} : memref<16384xf32, #tpu.memory_space<vmem>>, vector<16xf32>,
      %parallel_loop3A_162 = arith.addf %parallel_loop3A_155, %parallel_loop3A_161 : vector<16xf32>
      %parallel_loop3A_163 = arith.constant 16 : i32
      %parallel_loop3A_164 = arith.muli %parallel_loop3A_92, %parallel_loop3A_163 : i32
      %parallel_loop3A_165 = arith.constant 10240 : i32
      %parallel_loop3A_166 = arith.addi %parallel_loop3A_165, %parallel_loop3A_164 : i32
      %parallel_loop3A_167 = arith.index_cast %parallel_loop3A_166 : i32 to index
      %parallel_loop3A_168 = tpu.vector_load %arg5[%parallel_loop3A_167] {strides = array<i32>} : memref<16384xf32, #tpu.memory_space<vmem>>, vector<16xf32>,
      %parallel_loop3A_169 = arith.addf %parallel_loop3A_162, %parallel_loop3A_168 : vector<16xf32>
      %parallel_loop3A_170 = arith.constant 16 : i32
      %parallel_loop3A_171 = arith.muli %parallel_loop3A_92, %parallel_loop3A_170 : i32
      %parallel_loop3A_172 = arith.constant 11264 : i32
      %parallel_loop3A_173 = arith.addi %parallel_loop3A_172, %parallel_loop3A_171 : i32
      %parallel_loop3A_174 = arith.index_cast %parallel_loop3A_173 : i32 to index
      %parallel_loop3A_175 = tpu.vector_load %arg5[%parallel_loop3A_174] {strides = array<i32>} : memref<16384xf32, #tpu.memory_space<vmem>>, vector<16xf32>,
      %parallel_loop3A_176 = arith.addf %parallel_loop3A_169, %parallel_loop3A_175 : vector<16xf32>
      %parallel_loop3A_177 = arith.constant 16 : i32
      %parallel_loop3A_178 = arith.muli %parallel_loop3A_92, %parallel_loop3A_177 : i32
      %parallel_loop3A_179 = arith.constant 12288 : i32
      %parallel_loop3A_180 = arith.addi %parallel_loop3A_179, %parallel_loop3A_178 : i32
      %parallel_loop3A_181 = arith.index_cast %parallel_loop3A_180 : i32 to index
      %parallel_loop3A_182 = tpu.vector_load %arg5[%parallel_loop3A_181] {strides = array<i32>} : memref<16384xf32, #tpu.memory_space<vmem>>, vector<16xf32>,
      %parallel_loop3A_183 = arith.addf %parallel_loop3A_176, %parallel_loop3A_182 : vector<16xf32>
      %parallel_loop3A_184 = arith.constant 16 : i32
      %parallel_loop3A_185 = arith.muli %parallel_loop3A_92, %parallel_loop3A_184 : i32
      %parallel_loop3A_186 = arith.constant 13312 : i32
      %parallel_loop3A_187 = arith.addi %parallel_loop3A_186, %parallel_loop3A_185 : i32
      %parallel_loop3A_188 = arith.index_cast %parallel_loop3A_187 : i32 to index
      %parallel_loop3A_189 = tpu.vector_load %arg5[%parallel_loop3A_188] {strides = array<i32>} : memref<16384xf32, #tpu.memory_space<vmem>>, vector<16xf32>,
      %parallel_loop3A_190 = arith.addf %parallel_loop3A_183, %parallel_loop3A_189 : vector<16xf32>
      %parallel_loop3A_191 = arith.constant 16 : i32
      %parallel_loop3A_192 = arith.muli %parallel_loop3A_92, %parallel_loop3A_191 : i32
      %parallel_loop3A_193 = arith.constant 14336 : i32
      %parallel_loop3A_194 = arith.addi %parallel_loop3A_193, %parallel_loop3A_192 : i32
      %parallel_loop3A_195 = arith.index_cast %parallel_loop3A_194 : i32 to index
      %parallel_loop3A_196 = tpu.vector_load %arg5[%parallel_loop3A_195] {strides = array<i32>} : memref<16384xf32, #tpu.memory_space<vmem>>, vector<16xf32>,
      %parallel_loop3A_197 = arith.addf %parallel_loop3A_190, %parallel_loop3A_196 : vector<16xf32>
      %parallel_loop3A_198 = arith.constant 16 : i32
      %parallel_loop3A_199 = arith.muli %parallel_loop3A_92, %parallel_loop3A_198 : i32
      %parallel_loop3A_200 = arith.constant 15360 : i32
      %parallel_loop3A_201 = arith.addi %parallel_loop3A_200, %parallel_loop3A_199 : i32
      %parallel_loop3A_202 = arith.index_cast %parallel_loop3A_201 : i32 to index
      %parallel_loop3A_203 = tpu.vector_load %arg5[%parallel_loop3A_202] {strides = array<i32>} : memref<16384xf32, #tpu.memory_space<vmem>>, vector<16xf32>,
      %parallel_loop3A_204 = arith.addf %parallel_loop3A_197, %parallel_loop3A_203 : vector<16xf32>
      %parallel_loop3A_205 = arith.index_cast %parallel_loop3A_92 : i32 to index
      %parallel_loop3A_206 = arith.constant 0 : index
      %parallel_loop3A_207 = tpu.vector_load %arg7[%parallel_loop3A_205, %parallel_loop3A_206] {strides = array<i32>} : memref<64x16xf32, #tpu.memory_space<vmem>>, vector<16xf32>,
      tpu.vector_store %arg7[%parallel_loop3A_205, %parallel_loop3A_206], %parallel_loop3A_204 {strides = array<i32>} : memref<64x16xf32, #tpu.memory_space<vmem>>, vector<16xf32>,
    } {sc.loop_unroll_factor = 2 : i64, sc.parallel_access}
    %swap3A_83 = arith.constant 0 : index
    %swap3A_84 = tpu.vector_load %arg9[%swap3A_83] {strides = array<i32>} : memref<16xf32, #tpu.memory_space<vmem>>, vector<16xf32>,
    tpu.vector_store %arg9[%swap3A_83], %parallel_loop3A_79 {strides = array<i32>} : memref<16xf32, #tpu.memory_space<vmem>>, vector<16xf32>,
    "tpu.region"() ({
      %run_scoped3A = tpu.sem_alloc : memref<!tpu.dma_semaphore, #tpu.memory_space<semaphore_mem>>
      %dma_start3A_92 = arith.constant 0 : i32
      %dma_start3A_93 = arith.constant 0 : i32
      %dma_start3A_94 = tpu.memref_slice %arg13[%dma_start3A_92, %dma_start3A_93] : memref<64x16xf32, #tpu.memory_space<vmem_shared>> -> memref<64x16xf32, #tpu.memory_space<vmem_shared>>
      tpu.enqueue_indirect_dma source(%arg7 : memref<64x16xf32, #tpu.memory_space<vmem>>) target(%dma_start3A_94 : memref<64x16xf32, #tpu.memory_space<vmem_shared>>) offsets(%arg11 : memref<64xi32, #tpu.memory_space<vmem>>) semaphore(%run_scoped3A : memref<!tpu.dma_semaphore, #tpu.memory_space<semaphore_mem>>) {add = true}
      %dma_wait3A_95 = arith.constant 0 : i32
      %dma_wait3A_96 = arith.constant 0 : i32
      %dma_wait3A_97 = tpu.memref_slice %arg13[%dma_wait3A_95, %dma_wait3A_96] : memref<64x16xf32, #tpu.memory_space<vmem_shared>> -> memref<64x16xf32, #tpu.memory_space<vmem_shared>>
      tpu.wait_indirect_dma semaphore(%run_scoped3A : memref<!tpu.dma_semaphore, #tpu.memory_space<semaphore_mem>>) src(%arg7 : memref<64x16xf32, #tpu.memory_space<vmem>>) dst(%dma_wait3A_97 : memref<64x16xf32, #tpu.memory_space<vmem_shared>>)
      tpu.yield
    }) : () -> ()
    "tpu.region"() ({
      %run_scoped3A = tpu.sem_alloc : memref<!tpu.dma_semaphore, #tpu.memory_space<semaphore_mem>>
      %dma_start3A_92 = arith.constant 0 : i32
      %dma_start3A_93 = tpu.memref_slice %arg15[%arg1, %dma_start3A_92] : memref<16x16xf32, #tpu.memory_space<vmem_shared>> -> memref<1x16xf32, #tpu.memory_space<vmem_shared>>
      %dma_start3A_94 = tpu.memref_squeeze %dma_start3A_93 : memref<1x16xf32, #tpu.memory_space<vmem_shared>> -> memref<16xf32, #tpu.memory_space<vmem_shared>>
      %dma_start3A_95 = arith.constant 0 : i32
      %dma_start3A_96 = tpu.memref_slice %arg15[%arg1, %dma_start3A_95] : memref<16x16xf32, #tpu.memory_space<vmem_shared>> -> memref<1x16xf32, #tpu.memory_space<vmem_shared>>
      %dma_start3A_97 = tpu.memref_squeeze %dma_start3A_96 : memref<1x16xf32, #tpu.memory_space<vmem_shared>> -> memref<16xf32, #tpu.memory_space<vmem_shared>>
      tpu.enqueue_dma source(%arg9 : memref<16xf32, #tpu.memory_space<vmem>>) target(%dma_start3A_97 : memref<16xf32, #tpu.memory_space<vmem_shared>>) target_semaphore(%run_scoped3A : memref<!tpu.dma_semaphore, #tpu.memory_space<semaphore_mem>>)
      %dma_wait3A_98 = arith.constant 0 : i32
      %dma_wait3A_99 = tpu.memref_slice %arg15[%arg1, %dma_wait3A_98] : memref<16x16xf32, #tpu.memory_space<vmem_shared>> -> memref<1x16xf32, #tpu.memory_space<vmem_shared>>
      %dma_wait3A_100 = tpu.memref_squeeze %dma_wait3A_99 : memref<1x16xf32, #tpu.memory_space<vmem_shared>> -> memref<16xf32, #tpu.memory_space<vmem_shared>>
      %dma_wait3A_101 = arith.constant 0 : i32
      %dma_wait3A_102 = tpu.memref_slice %arg15[%arg1, %dma_wait3A_101] : memref<16x16xf32, #tpu.memory_space<vmem_shared>> -> memref<1x16xf32, #tpu.memory_space<vmem_shared>>
      %dma_wait3A_103 = tpu.memref_squeeze %dma_wait3A_102 : memref<1x16xf32, #tpu.memory_space<vmem_shared>> -> memref<16xf32, #tpu.memory_space<vmem_shared>>
      tpu.wait_dma2 semaphore(%run_scoped3A : memref<!tpu.dma_semaphore, #tpu.memory_space<semaphore_mem>>) src(%arg9 : memref<16xf32, #tpu.memory_space<vmem>>) dst(%dma_wait3A_103 : memref<16xf32, #tpu.memory_space<vmem_shared>>)
      tpu.yield
    }) : () -> ()
    %barrier3A_85 = arith.constant 0 : index
    tpu.barrier barrier_id(%barrier3A_85)
    %eq3A_86 = arith.constant 0 : i32
    %eq3A_87 = arith.cmpi eq, %arg1, %eq3A_86 : i32
    %convert_element_type3A_88 = arith.extui %eq3A_87 : i1 to i32
    %cond3A_89 = arith.constant 5.000000e+05 : f32
    %cond3A_90 = arith.constant 0 : i32
    %cond3A_91 = arith.cmpi ne, %convert_element_type3A_88, %cond3A_90 : i32
    scf.if %cond3A_91 {
      "tpu.region"() ({
        %run_scoped3A = tpu.sem_alloc : memref<!tpu.dma_semaphore, #tpu.memory_space<semaphore_mem>>
        tpu.enqueue_dma source(%arg13 : memref<64x16xf32, #tpu.memory_space<vmem_shared>>) target(%arg7 : memref<64x16xf32, #tpu.memory_space<vmem>>) target_semaphore(%run_scoped3A : memref<!tpu.dma_semaphore, #tpu.memory_space<semaphore_mem>>)
        tpu.wait_dma2 semaphore(%run_scoped3A : memref<!tpu.dma_semaphore, #tpu.memory_space<semaphore_mem>>) src(%arg13 : memref<64x16xf32, #tpu.memory_space<vmem_shared>>) dst(%arg7 : memref<64x16xf32, #tpu.memory_space<vmem>>)
        tpu.yield
      }) : () -> ()
      "tpu.region"() ({
        %run_scoped3A = tpu.sem_alloc : memref<!tpu.dma_semaphore, #tpu.memory_space<semaphore_mem>>
        tpu.enqueue_dma source(%arg15 : memref<16x16xf32, #tpu.memory_space<vmem_shared>>) target(%arg10 : memref<16x16xf32, #tpu.memory_space<vmem>>) target_semaphore(%run_scoped3A : memref<!tpu.dma_semaphore, #tpu.memory_space<semaphore_mem>>)
        tpu.wait_dma2 semaphore(%run_scoped3A : memref<!tpu.dma_semaphore, #tpu.memory_space<semaphore_mem>>) src(%arg15 : memref<16x16xf32, #tpu.memory_space<vmem_shared>>) dst(%arg10 : memref<16x16xf32, #tpu.memory_space<vmem>>)
        tpu.yield
      }) : () -> ()
      %broadcast_in_dim3A_92 = arith.constant 0.000000e+00 : f32
      %broadcast_in_dim3A_93 = vector.broadcast %broadcast_in_dim3A_92 : f32 to vector<16xf32>
      %scan3A_94 = arith.constant 0.000000e+00 : f32
      %scan3A_95 = arith.constant 0 : i32
      %scan3A_96 = arith.constant 0.000000e+00 : f32
      %scan3A_97 = arith.constant 0.000000e+00 : f32
      %scan3A_98 = arith.constant 0 : i32
      %scan3A_99 = arith.constant 64 : i32
      %scan3A_100 = arith.addi %scan3A_98, %scan3A_99 : i32
      %scan3A_101 = arith.constant 1 : i32
      %scan3A_102:4 = scf.for %scan3A_139 = %scan3A_98 to %scan3A_100 step %scan3A_101 iter_args(%scan3A_140 = %scan3A_94, %scan3A_141 = %scan3A_95, %scan3A_142 = %scan3A_96, %scan3A_143 = %scan3A_97) -> (f32, i32, f32, f32)  : i32 {
        %sub3A_144 = arith.constant 63 : i32
        %sub3A_145 = arith.subi %sub3A_144, %scan3A_139 : i32
        %get3A = arith.index_cast %sub3A_145 : i32 to index
        %get3A_146 = arith.constant 0 : index
        %get3A_147 = tpu.vector_load %arg7[%get3A, %get3A_146] {strides = array<i32>} : memref<64x16xf32, #tpu.memory_space<vmem>>, vector<16xf32>,
        %rev3A = arith.constant 15 : i32
        %rev3A_148 = vector.broadcast %rev3A : i32 to vector<16xi32>
        %rev3A_149 = tpu.iota {dimensions = array<i32: 0>} : vector<16xi32>
        %rev3A_150 = arith.subi %rev3A_148, %rev3A_149 : vector<16xi32>
        %rev3A_151 = tpu.dynamic_gather %get3A_147[%rev3A_150] in [0] : vector<16xf32>, vector<16xi32> -> vector<16xf32>
        %cumsum3A = arith.constant true
        %cumsum3A_152 = vector.broadcast %cumsum3A : i1 to vector<16xi1>
        %cumsum3A_153 = tpu.scan <sum>, %rev3A_151 masked %cumsum3A_152 : vector<16xf32>, vector<16xi1> -> vector<16xf32>
        %slice3A = vector.extract_strided_slice %cumsum3A_153 {offsets = [15], sizes = [1], strides = [1]} : vector<16xf32> to vector<1xf32>
        %squeeze3A = vector.extract %slice3A[0] : f32 from vector<1xf32>
        %lt3A = arith.cmpf olt, %scan3A_140, %sub3A_74 : f32
        %add3A_154 = arith.addf %scan3A_140, %squeeze3A : f32
        %ge3A = arith.cmpf oge, %add3A_154, %sub3A_74 : f32
        %and3A = arith.andi %lt3A, %ge3A : i1
        %convert_element_type3A_155 = arith.extui %and3A : i1 to i32
        %cond3A_156 = arith.constant 0 : i32
        %cond3A_157 = arith.cmpi ne, %convert_element_type3A_155, %cond3A_156 : i32
        %cond3A_158:3 = scf.if %cond3A_157 -> (i32, f32, f32) {
          %add3A_160 = vector.broadcast %scan3A_140 : f32 to vector<16xf32>
          %add3A_161 = arith.addf %add3A_160, %cumsum3A_153 : vector<16xf32>
          %ge3A_162 = vector.broadcast %sub3A_74 : f32 to vector<16xf32>
          %ge3A_163 = arith.cmpf oge, %add3A_161, %ge3A_162 : vector<16xf32>
          %all_reduce_ffs3A = tpu.all_reduce %ge3A_163 {dim = 0 : i64, kind = #tpu.reduction_kind<find_first_set>} : vector<16xi1> -> vector<16xi32>
          %eq3A_164 = arith.cmpi eq, %iota3A, %all_reduce_ffs3A : vector<16xi32>
          %slice3A_165 = vector.extract_strided_slice %all_reduce_ffs3A {offsets = [0], sizes = [1], strides = [1]} : vector<16xi32> to vector<1xi32>
          %squeeze3A_166 = vector.extract %slice3A_165[0] : i32 from vector<1xi32>
          %mul3A_167 = arith.constant 16 : i32
          %mul3A_168 = arith.muli %sub3A_145, %mul3A_167 : i32
          %add3A_169 = arith.constant 15 : i32
          %add3A_170 = arith.addi %mul3A_168, %add3A_169 : i32
          %sub3A_171 = arith.subi %add3A_170, %squeeze3A_166 : i32
          %sub3A_172 = arith.subf %cumsum3A_153, %rev3A_151 : vector<16xf32>
          %select_n3A_173 = arith.select %eq3A_164, %sub3A_172, %broadcast_in_dim3A_93 : vector<16xi1>, vector<16xf32>
          %reduce_sum3A_174 = arith.constant true
          %reduce_sum3A_175 = vector.broadcast %reduce_sum3A_174 : i1 to vector<16xi1>
          %reduce_sum3A_176 = tpu.scan <sum>, %select_n3A_173 masked %reduce_sum3A_175 : vector<16xf32>, vector<16xi1> -> vector<16xf32>
          %reduce_sum3A_177 = vector.extract %reduce_sum3A_176[15] : f32 from vector<16xf32>
          %add3A_178 = arith.addf %scan3A_140, %reduce_sum3A_177 : f32
          %select_n3A_179 = arith.select %eq3A_164, %rev3A_151, %broadcast_in_dim3A_93 : vector<16xi1>, vector<16xf32>
          %reduce_sum3A_180 = arith.constant true
          %reduce_sum3A_181 = vector.broadcast %reduce_sum3A_180 : i1 to vector<16xi1>
          %reduce_sum3A_182 = tpu.scan <sum>, %select_n3A_179 masked %reduce_sum3A_181 : vector<16xf32>, vector<16xi1> -> vector<16xf32>
          %reduce_sum3A_183 = vector.extract %reduce_sum3A_182[15] : f32 from vector<16xf32>
          scf.yield %sub3A_171, %add3A_178, %reduce_sum3A_183 : i32, f32, f32
        } else {
          scf.yield %scan3A_141, %scan3A_142, %scan3A_143 : i32, f32, f32
        }
        %add3A_159 = arith.addf %scan3A_140, %squeeze3A : f32
        scf.yield %add3A_159, %cond3A_158#0, %cond3A_158#1, %cond3A_158#2 : f32, i32, f32, f32
      }
      %scan3A_103 = arith.constant 64 : i32
      %sub3A_104 = arith.subf %sub3A_74, %scan3A_102#2 : f32
      %shift_left3A = arith.constant 22 : i32
      %shift_left3A_105 = arith.shli %sub3A_76, %shift_left3A : i32
      %parallel_loop3A_106 = arith.constant 0 : i32
      %parallel_loop3A_107 = arith.constant 64 : i32
      %parallel_loop3A_108 = arith.constant 1 : i32
      %parallel_loop3A_109:2 = scf.for %parallel_loop3A_139 = %parallel_loop3A_106 to %parallel_loop3A_107 step %parallel_loop3A_108 iter_args(%parallel_loop3A_140 = %broadcast_in_dim3A_0, %parallel_loop3A_141 = %broadcast_in_dim3A_0) -> (vector<16xf32>, vector<16xf32>)  : i32 {
        %parallel_loop3A_142 = arith.index_cast %parallel_loop3A_139 : i32 to index
        %parallel_loop3A_143 = arith.constant 0 : index
        %parallel_loop3A_144 = tpu.vector_load %arg7[%parallel_loop3A_142, %parallel_loop3A_143] {strides = array<i32>} : memref<64x16xf32, #tpu.memory_space<vmem>>, vector<16xf32>,
        %parallel_loop3A_145 = arith.constant 16 : i32
        %parallel_loop3A_146 = arith.muli %parallel_loop3A_139, %parallel_loop3A_145 : i32
        %parallel_loop3A_147 = vector.broadcast %parallel_loop3A_146 : i32 to vector<16xi32>
        %parallel_loop3A_148 = arith.addi %parallel_loop3A_147, %iota3A : vector<16xi32>
        %parallel_loop3A_149 = arith.constant 12 : i32
        %parallel_loop3A_150 = vector.broadcast %parallel_loop3A_149 : i32 to vector<16xi32>
        %parallel_loop3A_151 = arith.shli %parallel_loop3A_148, %parallel_loop3A_150 : vector<16xi32>
        %parallel_loop3A_152 = vector.broadcast %shift_left3A_105 : i32 to vector<16xi32>
        %parallel_loop3A_153 = arith.addi %parallel_loop3A_152, %parallel_loop3A_151 : vector<16xi32>
        %parallel_loop3A_154 = arith.constant 0 : i32
        %parallel_loop3A_155 = vector.broadcast %parallel_loop3A_154 : i32 to vector<16xi32>
        %parallel_loop3A_156 = arith.cmpi slt, %parallel_loop3A_153, %parallel_loop3A_155 : vector<16xi32>
        %parallel_loop3A_157 = arith.constant 2147483647 : i32
        %parallel_loop3A_158 = vector.broadcast %parallel_loop3A_157 : i32 to vector<16xi32>
        %parallel_loop3A_159 = arith.xori %parallel_loop3A_153, %parallel_loop3A_158 : vector<16xi32>
        %parallel_loop3A_160 = arith.select %parallel_loop3A_156, %parallel_loop3A_159, %parallel_loop3A_153 : vector<16xi1>, vector<16xi32>
        %parallel_loop3A_161 = tpu.bitcast %parallel_loop3A_160 : vector<16xi32> -> vector<16xf32>
        %parallel_loop3A_162 = vector.broadcast %scan3A_102#1 : i32 to vector<16xi32>
        %parallel_loop3A_163 = arith.cmpi sgt, %parallel_loop3A_148, %parallel_loop3A_162 : vector<16xi32>
        %parallel_loop3A_164 = arith.mulf %parallel_loop3A_144, %parallel_loop3A_161 : vector<16xf32>
        %parallel_loop3A_165 = arith.select %parallel_loop3A_163, %parallel_loop3A_164, %broadcast_in_dim3A_0 : vector<16xi1>, vector<16xf32>
        %parallel_loop3A_166 = arith.addf %parallel_loop3A_140, %parallel_loop3A_165 : vector<16xf32>
        %parallel_loop3A_167 = vector.broadcast %scan3A_102#1 : i32 to vector<16xi32>
        %parallel_loop3A_168 = arith.cmpi eq, %parallel_loop3A_148, %parallel_loop3A_167 : vector<16xi32>
        %parallel_loop3A_169 = arith.select %parallel_loop3A_168, %parallel_loop3A_161, %broadcast_in_dim3A_0 : vector<16xi1>, vector<16xf32>
        %parallel_loop3A_170 = arith.addf %parallel_loop3A_141, %parallel_loop3A_169 : vector<16xf32>
        scf.yield %parallel_loop3A_166, %parallel_loop3A_170 : vector<16xf32>, vector<16xf32>
      } {sc.loop_unroll_factor = 4 : i64, sc.parallel_access}
      %reduce_sum3A = arith.constant true
      %reduce_sum3A_110 = vector.broadcast %reduce_sum3A : i1 to vector<16xi1>
      %reduce_sum3A_111 = tpu.scan <sum>, %parallel_loop3A_109#0 masked %reduce_sum3A_110 : vector<16xf32>, vector<16xi1> -> vector<16xf32>
      %reduce_sum3A_112 = vector.extract %reduce_sum3A_111[15] : f32 from vector<16xf32>
      %reduce_sum3A_113 = arith.constant true
      %reduce_sum3A_114 = vector.broadcast %reduce_sum3A_113 : i1 to vector<16xi1>
      %reduce_sum3A_115 = tpu.scan <sum>, %parallel_loop3A_109#1 masked %reduce_sum3A_114 : vector<16xf32>, vector<16xi1> -> vector<16xf32>
      %reduce_sum3A_116 = vector.extract %reduce_sum3A_115[15] : f32 from vector<16xf32>
      %parallel_loop3A_117 = arith.constant 0 : i32
      %parallel_loop3A_118 = arith.constant 16 : i32
      %parallel_loop3A_119 = arith.constant 1 : i32
      %parallel_loop3A_120 = scf.for %parallel_loop3A_139 = %parallel_loop3A_117 to %parallel_loop3A_118 step %parallel_loop3A_119 iter_args(%parallel_loop3A_140 = %broadcast_in_dim3A_0) -> (vector<16xf32>)  : i32 {
        %parallel_loop3A_141 = arith.index_cast %parallel_loop3A_139 : i32 to index
        %parallel_loop3A_142 = arith.constant 0 : index
        %parallel_loop3A_143 = tpu.vector_load %arg10[%parallel_loop3A_141, %parallel_loop3A_142] {strides = array<i32>} : memref<16x16xf32, #tpu.memory_space<vmem>>, vector<16xf32>,
        %parallel_loop3A_144 = arith.addf %parallel_loop3A_140, %parallel_loop3A_143 : vector<16xf32>
        scf.yield %parallel_loop3A_144 : vector<16xf32>
      } {sc.loop_unroll_factor = 4 : i64, sc.parallel_access}
      %reduce_sum3A_121 = arith.constant true
      %reduce_sum3A_122 = vector.broadcast %reduce_sum3A_121 : i1 to vector<16xi1>
      %reduce_sum3A_123 = tpu.scan <sum>, %parallel_loop3A_120 masked %reduce_sum3A_122 : vector<16xf32>, vector<16xi1> -> vector<16xf32>
      %reduce_sum3A_124 = vector.extract %reduce_sum3A_123[15] : f32 from vector<16xf32>
      %add3A_125 = vector.broadcast %sub3A_104 : f32 to vector<16xf32>
      %add3A_126 = arith.addf %broadcast_in_dim3A_0, %add3A_125 : vector<16xf32>
      %add3A_127 = vector.broadcast %reduce_sum3A_116 : f32 to vector<16xf32>
      %add3A_128 = arith.addf %broadcast_in_dim3A_0, %add3A_127 : vector<16xf32>
      %mul3A_129 = arith.mulf %add3A_126, %add3A_128 : vector<16xf32>
      %add3A_130 = vector.broadcast %reduce_sum3A_124 : f32 to vector<16xf32>
      %add3A_131 = arith.addf %broadcast_in_dim3A_0, %add3A_130 : vector<16xf32>
      %add3A_132 = vector.broadcast %reduce_sum3A_112 : f32 to vector<16xf32>
      %add3A_133 = arith.addf %add3A_131, %add3A_132 : vector<16xf32>
      %add3A_134 = arith.addf %add3A_133, %mul3A_129 : vector<16xf32>
      %add3A_135 = vector.broadcast %cond3A_89 : f32 to vector<16xf32>
      %add3A_136 = arith.addf %broadcast_in_dim3A_0, %add3A_135 : vector<16xf32>
      %div3A = arith.divf %add3A_134, %add3A_136 : vector<16xf32>
      %swap3A_137 = arith.constant 0 : index
      %swap3A_138 = tpu.vector_load %arg9[%swap3A_137] {strides = array<i32>} : memref<16xf32, #tpu.memory_space<vmem>>, vector<16xf32>,
      tpu.vector_store %arg9[%swap3A_137], %div3A {strides = array<i32>} : memref<16xf32, #tpu.memory_space<vmem>>, vector<16xf32>,
      "tpu.region"() ({
        %run_scoped3A = tpu.sem_alloc : memref<!tpu.dma_semaphore, #tpu.memory_space<semaphore_mem>>
        tpu.enqueue_dma source(%arg9 : memref<16xf32, #tpu.memory_space<vmem>>) target(%arg3 : memref<16xf32, #tpu.memory_space<hbm>>) target_semaphore(%run_scoped3A : memref<!tpu.dma_semaphore, #tpu.memory_space<semaphore_mem>>)
        tpu.wait_dma2 semaphore(%run_scoped3A : memref<!tpu.dma_semaphore, #tpu.memory_space<semaphore_mem>>) src(%arg9 : memref<16xf32, #tpu.memory_space<vmem>>) dst(%arg3 : memref<16xf32, #tpu.memory_space<hbm>>)
        tpu.yield
      }) : () -> ()
    } else {
    }
    return
  }
}

</mosaic_0001>

<sc_bundles>
// kernel: kernel.3.cloned.1.call-start
scs
__scs_entry_jumppad:
0x0: {  	(pc) =	sbr.rel $0x88, $3  }
0x1: {  	(tag) =	ssettag $0x0;
	lr =	simm.s32 $0x1  }
0x2: {  	[smem:$0x3FA0] =	sst lr;
	_ =	strace $0xD0000000  }
0x3: {  	_ = 	snop  }
0x4: {  	_ = 	snop  }
0x5: {  	_ = 	snop  }
0x6: {  	_ = 	snop  }
0x7: {  	_ = 	snop  }
__scs_overlays_trampoline_lowered:
0x8: {  	[smem:$0x3FAF] =	sst s0  }
0x9: {  	[smem:$0x3FB0] =	sst s1  }
0xa: {  	[smem:$0x3FB1] =	sst s2  }
0xb: {  	[smem:$0x3FB2] =	sst s3  }
0xc: {  	[smem:$0x3FB3] =	sst s4  }
0xd: {  	[smem:$0x3FB4] =	sst s5  }
0xe: {  	[smem:$0x3FB5] =	sst s6  }
0xf: {  	[smem:$0x3FB6] =	sst s7  }
0x10: {  	[smem:$0x3FB7] =	sst s8  }
0x11: {  	[smem:$0x3FB8] =	sst s9;
	s0 =	simm.s32 @!p0 $0x0  }
0x12: {  	s1 =	sld [smem:$0x3F9E];
	s0 =	simm.s32 @p0 $0x1  }
0x13: {  	[smem:$0x3FB9] =	sst s0;
	s0 =	simm.s32 @!p1 $0x0  }
0x14: {  	s2 =	sld [smem:$0x3F9D];
	s0 =	simm.s32 @p1 $0x1  }
0x15: {  	[smem:$0x3FBA] =	sst s0;
	s0 =	simm.s32 @!p2 $0x0  }
0x16: {  	s3 =	sld [smem:$0x3FDB];
	s0 =	simm.s32 @p2 $0x1  }
0x17: {  	s4 =	simm.s32 $0x1BF5;
	[smem:$0x3FBC] =	sst s0  }
0x18: {  	s0 =	sld [smem:$0x3F9F];
	_ =	swait.ge [sflag:s4], $0x0  }
0x19: {  	s7 =	sld [smem:$0x3FA0]  }
0x1a: {  	s8 =	sadd.s32 $0xFFFFE003, lr  }
0x1b: {  	s9 =	sadd.s32 $0xFFFFFEF7, lr;
	s5 =	simm.s32 $0xFFFFFFFF;
	p2 =	slt.u32 s8, $0xFFFFF086  }
0x1c: {  	p1 =	slt.u32 s9, $0xF7A;
	s5 =	simm.s32 @!p2 $0x0  }
0x1d: {  	s5 =	simm.s32 @p1 $0x1;
	p0 =	seq.s32 s7, s2  }
0x1e: {  	s7 =	smul.u32 @!p0 $0xF7A, s2;
	p2 =	seq.s32 @!p0 s5, $0x0  }
0x1f: {  	s9 =	smul.u32 $0xF7A, s1;
	s8 =	simm.s32 @!p0 $0x1BF5;
	p2 =	por !p2, p0  }
0x20: {  	[sflag:s8] =	ssyncset.s32 @!p0 $0xFFFFF086;
	s6 =	sadd.s32 @!p0 s3, s7;
	s7 =	simm.s32 @!p0 $0x108  }
0x21: {  	s3 =	sadd.s32 s3, s9;
	s6 =	sadd.s32 @!p0 $0x88, s6;
	s7 =	simm.s32 @p2 $0x1082  }
0x22: {  	[simem:s7], [sflag:s8] =	dma.local @!p0 [hbm:s6], $0xF7A  }
0x23: {  	s9 =	sor.u32 $0xD0000000, s2;
	s6 =	simm.s32 $0x108;
	_ =	swait.ge @!p0 [sflag:s8], $0x0  }
0x24: {  	s3 =	sadd.s32 $0x88, s3;
	s6 =	simm.s32 @!p1 $0x1082;
	[sflag:s4] =	ssyncset.s32 $0xFFFFF086  }
0x25: {  	[simem:s6], [sflag:s4] =	dma.local [hbm:s3], $0xF7A  }
0x26: {  	[smem:$0x3FA0] =	sst s1;
	(tag) =	ssettag s2;
	_ =	strace s9  }
0x27: {  	s1 =	sld [smem:$0x3FB0]  }
0x28: {  	s2 =	sld [smem:$0x3FB1]  }
0x29: {  	s4 =	sld [smem:$0x3FB3]  }
0x2a: {  	p0 =	seq.s32 s5, $0x0;
	s5 =	sld [smem:$0x3FB4]  }
0x2b: {  	s6 =	sld [smem:$0x3FB5]  }
0x2c: {  	s7 =	sld [smem:$0x3FB6]  }
0x2d: {  	s3 =	simm.s32 $0x108;
	s8 =	sld [smem:$0x3FB7]  }
0x2e: {  	s3 =	simm.s32 @!p0 $0x1082;
	s9 =	sld [smem:$0x3FB8]  }
0x2f: {  	lr =	sadd.s32 s0, s3;
	s0 =	sld [smem:$0x3FAF]  }
0x30: {  	s3 =	sld [smem:$0x3FB2]  }
0x31: {  	[smem:$0x3FBB] =	sst s10  }
0x32: {  	s10 =	sld [smem:$0x3FB9];
	_ =	sdelay $0x3  }
0x33: {  	p0 =	seq.s32 s10, $0x1;
	s10 =	sld [smem:$0x3FBB];
	_ =	sdelay $0x3  }
0x34: {  	[smem:$0x3FBB] =	sst s10  }
0x35: {  	s10 =	sld [smem:$0x3FBA];
	_ =	sdelay $0x3  }
0x36: {  	p1 =	seq.s32 s10, $0x1;
	s10 =	sld [smem:$0x3FBB];
	_ =	sdelay $0x3  }
0x37: {  	[smem:$0x3FBB] =	sst s10  }
0x38: {  	s10 =	sld [smem:$0x3FBC]  }
0x39: {  	_ = 	snop;
	(pc) =	sbr.ind lr, $3  }
0x3a: {  	_ = 	snop  }
0x3b: {  	_ = 	snop  }
0x3c: {  	p2 =	seq.s32 s10, $0x1;
	s10 =	sld [smem:$0x3FBB]  }
0x3d: {  	_ =	shalt  }
0x3e: {  	_ =	shalt  }
0x3f: {  	_ =	shalt  }
0x40: {  	_ =	shalt  }
0x41: {  	_ =	shalt  }
0x42: {  	_ =	shalt  }
0x43: {  	_ =	shalt  }
0x44: {  	_ =	shalt  }
0x45: {  	_ =	shalt  }
0x46: {  	_ =	shalt  }
0x47: {  	_ =	shalt  }
0x48: {  	_ =	shalt  }
0x49: {  	_ =	shalt  }
0x4a: {  	_ =	shalt  }
0x4b: {  	_ =	shalt  }
0x4c: {  	_ =	shalt  }
0x4d: {  	_ =	shalt  }
0x4e: {  	_ =	shalt  }
0x4f: {  	_ =	shalt  }
0x50: {  	_ =	shalt  }
0x51: {  	_ =	shalt  }
0x52: {  	_ =	shalt  }
0x53: {  	_ =	shalt  }
0x54: {  	_ =	shalt  }
0x55: {  	_ =	shalt  }
0x56: {  	_ =	shalt  }
0x57: {  	_ =	shalt  }
0x58: {  	_ =	shalt  }
0x59: {  	_ =	shalt  }
0x5a: {  	_ =	shalt  }
0x5b: {  	_ =	shalt  }
0x5c: {  	_ =	shalt  }
0x5d: {  	_ =	shalt  }
0x5e: {  	_ =	shalt  }
0x5f: {  	_ =	shalt  }
0x60: {  	_ =	shalt  }
0x61: {  	_ =	shalt  }
0x62: {  	_ =	shalt  }
0x63: {  	_ =	shalt  }
0x64: {  	_ =	shalt  }
0x65: {  	_ =	shalt  }
0x66: {  	_ =	shalt  }
0x67: {  	_ =	shalt  }
0x68: {  	_ =	shalt  }
0x69: {  	_ =	shalt  }
0x6a: {  	_ =	shalt  }
0x6b: {  	_ =	shalt  }
0x6c: {  	_ =	shalt  }
0x6d: {  	_ =	shalt  }
0x6e: {  	_ =	shalt  }
0x6f: {  	_ =	shalt  }
0x70: {  	_ =	shalt  }
0x71: {  	_ =	shalt  }
0x72: {  	_ =	shalt  }
0x73: {  	_ =	shalt  }
0x74: {  	_ =	shalt  }
0x75: {  	_ =	shalt  }
0x76: {  	_ =	shalt  }
0x77: {  	_ =	shalt  }
0x78: {  	_ =	shalt  }
0x79: {  	_ =	shalt  }
0x7a: {  	_ =	shalt  }
0x7b: {  	_ =	shalt  }
0x7c: {  	_ =	shalt  }
0x7d: {  	_ =	shalt  }
0x7e: {  	_ =	shalt  }
0x7f: {  	_ =	shalt  }
0x80: {  	_ =	shalt  }
0x81: {  	_ =	shalt  }
0x82: {  	_ =	shalt  }
0x83: {  	_ =	shalt  }
0x84: {  	_ =	shalt  }
0x85: {  	_ =	shalt  }
0x86: {  	_ =	shalt  }
0x87: {  	_ =	shalt  }
.Lfunc_end0:
.L_simem_size_0:
called_computation_lowered:
.L_overlay_start_0:
0x88: {  	s0 =	sld [smem:$0x3FD9]  }
0x89: {  	s1 =	sld [smem:$0x3FFE];
	_ =	sdelay $0x3  }
0x8a: {  	s0 =	sadd.s32 s1, s0  }
0x8b: {  	[smem:$0x3FC7] =	sst s0  }
0x8c: {  	_ = 	snop  }
0x8d: {  	s0 =	sld [smem:$0x3FC9]  }
0x8e: {  	s17 =	sld [smem:$0x3FD0];
	(tm) =	ssettm $0x1  }
0x8f: {  	s2 =	sld [smem:$0x3FFB];
	_ =	sdelay $0x3  }
0x90: {  	_ =	strace s2  }
0x91: {  	s2 =	sld [smem:$0x3FFC];
	_ =	sdelay $0x3  }
0x92: {  	_ =	strace s2  }
0x93: {  	s2 =	sld [smem:$0x3FFD];
	_ =	sdelay $0x3  }
0x94: {  	_ =	strace s2  }
0x95: {  	_ =	strace $0x8FFFFFFF  }
0x96: {  	s18 =	sld [smem:$0x3FDB];
	_ =	sdelay $0x1  }
0x97: {  	s3 =	simm.s32 $_scs_section_size  }
0x98: {  	s4 =	simm.s32 $_size__tile_overlayer_lowered;
	s5 =	simm.s32 $_tile_overlayer_lowered  }
0x99: {  	s21 =	simm.s32 $0x1BFF;
	s20 =	sshll.u32 s5, $0x1;
	s2 =	sadd.s32 s3, s18  }
0x9a: {  	s6 =	simm.s32 $0x0;
	s19 =	sshll.u32 s4, $0x1;
	s4 =	sadd.s32 s20, s2  }
0x9b: {  	[timem:s6], [sflag:s21] =	dma.local [hbm:s4], s19  }
0x9c: {  	_ =	swait.ge [sflag:s21], s19  }
0x9d: {  	s3 =	ssub.s32 $0x0, s19;
	[sflag:s21] =	ssyncset.done $0x0  }
0x9e: {  	[sflag:s21] =	ssyncadd.s32 s3;
	_ =	sdelay $0x1  }
0x9f: {  	s22 =	simm.s32 $0x1B8B  }
0xa0: {  	_ =	swait.ge [sflag:s22], $0x1  }
0xa1: {  	[sflag:s22] =	ssyncset.done $0x0  }
0xa2: {  	s23 =	simm.s32 $0x1B8E;
	[sflag:s22] =	ssyncadd.s32 $0xFFFFFFFF  }
0xa3: {  	s24 =	simm.s32 $execute0_lowered;
	[smem:$0x3FD2] =	sst s23  }
0xa4: {  	s3 =	sshll.u32 s24, $0x1;
	_ =	strace $0x80000046;
	[dreg:$0x1] =	wrdreg $0xFFFFFFFF  }
0xa5: {  	s25 =	simm.s32 $_size_execute0_lowered;
	s2 =	sadd.s32 s2, s3;
	[dreg:$0x0] =	wrdreg $0x0  }
0xa6: {  	s3 =	sshll.u32 s25, $0x1;
	[dreg:$0x2] =	wrdreg s2  }
0xa7: {  	[dreg:$0x3] =	wrdreg s3  }
0xa8: {  	[dreg:$0x4] =	wrdreg $0xC0  }
0xa9: {  	_ =	task [dreg:s6], $0x5FFFF  }
0xaa: {  	[dreg:$0x1] =	wrdreg $0xFFFFFFFF  }
0xab: {  	[dreg:$0x0] =	wrdreg $0x60  }
0xac: {  	[dreg:$0x2] =	wrdreg s0  }
0xad: {  	[dreg:$0x3] =	wrdreg s17  }
0xae: {  	[dreg:$0x4] =	wrdreg $0x15D800  }
0xaf: {  	[dreg:$0x5] =	wrdreg $0x15DC00  }
0xb0: {  	[dreg:$0x6] =	wrdreg $0x15E000  }
0xb1: {  	[dreg:$0x7] =	wrdreg $0x9  }
0xb2: {  	_ =	task.clear_ibuf [dreg:s6], $0x8FFFF;
	_ =	strace $0x90000046  }
0xb3: {  	s26 =	simm.s32 $0x9;
	_ =	strace $0x80000048  }
0xb4: {  	_ =	swait.ge [sflag:s26], $0x1  }
0xb5: {  	[sflag:s26] =	ssyncadd.s32 $0xFFFFFFFF  }
0xb6: {  	_ =	strace $0x90000048  }
0xb7: {  	_ =	sfence  }
0xb8: {  	s28 =	sld [smem:$0x0];
	_ =	sdelay $0x1  }
0xb9: {  	s29 =	srdreg.scid  }
0xba: {  	s30 =	sshll.u32 s29, $0xD;
	s31 =	sshrl.u32 s29, $0x2  }
0xbb: {  	s1 =	sand.u32 $0x1, s29;
	s2 =	sand.u32 $0x4000, s30;
	s0 =	sadd.s32 s31, s28  }
0xbc: {  	s1 =	sor.u32 s2, s1;
	s0 =	sshll.u32 s0, $0x11  }
0xbd: {  	s0 =	sor.u32 s0, s1  }
0xbe: {  	s0 =	sadd.s32 $0x8F2B, s0  }
0xbf: {  	[sflag:s0] =	ssyncadd.remote.s32 $0x1  }
0xc0: {  	_ =	sfence.sel $0xFFFF  }
0xc1: {  	[dreg:$0x0] =	wrdreg $0xFFFFFFFF;
	(pc) =	sbr.abs _section_cstart, $3  }
0xc2: {  	[dreg:$0x1] =	wrdreg $0xFFFFFFFF  }
0xc3: {  	_ =	task.clear_ibuf [dreg:s6], $0x2FFFF;
	_ =	strace $0x9FFFFFFF  }
0xc4: {  	(tm) =	ssettm $0x7FFFFFFF  }
0xc5: {  	_ =	shalt  }
tec
execute0_lowered:
.L_overlay_start_1:
0x0: {  	(tag) =	ssettag $0x1  }
0x1: {  	s5 =	rddreg [dreg:$0x0]  }
0x2: {  	s7 =	rddreg [dreg:$0x2];
	s4 =	stileid.u32  }
0x3: {  	s3 =	rddreg [dreg:$0x3];
	s6 =	simm.s32 $0x0;
	s8 =	smul.u32 $0x1E84, s4  }
0x4: {  	[smem:$0x7FF] =	sst s6  }
0x5: {  	s2 =	rddreg [dreg:$0x4];
	_ =	strace $0x80000047;
	s8 =	sadd.s32 s5, s8  }
0x6: {  	[tilespmem:s6], [sflag:$0x1] =	stream.linear.gather [hbm4b:s8+s6], $0xF420, $0x38;
	[tilespmem:$0x15E10] =	vst v63  }
0x7: {  	v0 =	vimm.f32 $0.0e+00;
	s6 =	simm.s32 $0xF4C0  }
0x8: {  	[tilespmem:s6+$0xFFFFFFC0] =	vst v0  }
0x9: {  	[tilespmem:s6+$0x30] =	vst v0  }
0xa: {  	[tilespmem:s6+$0x20] =	vst v0  }
0xb: {  	[tilespmem:s6+$0x10] =	vst v0  }
0xc: {  	[tilespmem:s6+$0x0] =	vst v0  }
0xd: {  	[tilespmem:s6+$0xFFFFFFF0] =	vst v0  }
0xe: {  	s8 =	simm.s32 $0x0;
	[tilespmem:s6+$0xFFFFFFE0] =	vst v0  }
.LBB2_1:
0xf: {  	s8 =	sadd.s32 $0x8, s8;
	[tilespmem:s6+$0xFFFFFFD0] =	vst v0;
	s6 =	sadd.s32 $0x80, s6  }
0x10: {  	[tilespmem:s6+$0xFFFFFFC0] =	vst v0;
	p0 =	slt.u32 s8, $0x3F8  }
0x11: {  	[tilespmem:s6+$0x30] =	vst v0  }
.Ltmp0:
0x12: {  	[tilespmem:s6+$0x20] =	vst v0;
	(pc) =	sbr.rel @p0 .LBB2_1-.Ltmp0, $4  }
0x13: {  	[tilespmem:s6+$0x10] =	vst v0  }
0x14: {  	[tilespmem:s6+$0x0] =	vst v0  }
0x15: {  	[tilespmem:s6+$0xFFFFFFF0] =	vst v0  }
0x16: {  	[tilespmem:s6+$0xFFFFFFE0] =	vst v0  }
0x17: {  	[tilespmem:s6+$0xFFFFFFD0] =	vst v0;
	s6 =	simm.s32 $0x13580;
	v0 =	vimm.f32 $0.0e+00  }
0x18: {  	[tilespmem:s6+$0xFFFFFF00] =	vst v0  }
0x19: {  	[tilespmem:s6+$0x80] =	vst v0  }
0x1a: {  	s8 =	simm.s32 $0x0;
	[tilespmem:s6+$0x0] =	vst v0  }
.LBB2_3:
0x1b: {  	s8 =	sadd.s32 $0x4, s8  }
0x1c: {  	[tilespmem:s6+$0xFFFFFF80] =	vst v0;
	s6 =	sadd.s32 $0x200, s6;
	p0 =	slt.u32 s8, $0x3C  }
.Ltmp1:
0x1d: {  	[tilespmem:s6+$0xFFFFFF00] =	vst v0;
	(pc) =	sbr.rel @p0 .LBB2_3-.Ltmp1, $3  }
0x1e: {  	_ =	sdelay $0x1  }
0x1f: {  	[tilespmem:s6+$0x80] =	vst v0  }
0x20: {  	[tilespmem:s6+$0x0] =	vst v0  }
0x21: {  	v1 =	vimm.f32 $5.000000000e+05  }
0x22: {  	(erf) = vrcp.f32 v1;
	_ =	sdelay $0x2  }
0x23: {  	[tilespmem:s6+$0xFFFFFF80] =	vst v0;
	v1 =	vlaneseq.u32  }
0x24: {  	[tilespmem:$0x15D00] =	vst v1;
	v0 =	vor.u32 $0x10, v1  }
0x25: {  	[tilespmem:$0x15D10] =	vst v0;
	v0 =	vor.u32 $0x20, v1  }
0x26: {  	p0 =	seq.s32 s4, $0xF;
	[tilespmem:$0x15D20] =	vst v0;
	v0 =	vor.u32 $0x30, v1  }
0x27: {  	s5 =	sadd.s32 $0x1E840, s5;
	s6 =	simm.s32 @p0 $0x0;
	s8 =	simm.s32 @p0 $0xF420;
	[tilespmem:$0x15D30] =	vst v0  }
0x28: {  	[tilespmem:s8], [sflag:$0x2] =	stream.linear.gather @p0 [hbm4b:s5+s6], $0x40, $0x38;
	[tilespmem:$0x15E10] =	vst v63  }
0x29: {  	s5 =	simm.s32 @p0 $0x2;
	v0 =	vpop (erf)  }
0x2a: {  	p1 =	sne.s32 @!p0 s4, $0x0;
	_ =	swait.ge @p0 [sflag:s5], $0x40  }
0x2b: {  	p2 =	por p1, p0;
	[sflag:s5] =	ssyncset.done @p0 $0x0  }
0x2c: {  	s6 =	simm.s32 @!p2 $0x2;
	[sflag:s5] =	ssyncadd.s32 @p0 $0xFFFFFFC0;
	s5 =	simm.s32 @!p2 $0x13480  }
0x2d: {  	[spmem:s7] =	stream.linear.scatter @!p2 [tilespmem:s5], [sflag:$0x2], $0x2000, $0x38;
	[tilespmem:$0x15E10] =	vst v63  }
0x2e: {  	_ =	swait.ge @!p2 [sflag:s6], $0x2000  }
0x2f: {  	[sflag:s6] =	ssyncset.done @!p2 $0x0  }
0x30: {  	[sflag:s6] =	ssyncadd.s32 @!p2 $0xFFFFE000  }
0x31: {  	[spmem:s3] =	stream.linear.scatter @!p2 [tilespmem:s5], [sflag:$0x2], $0x2000, $0x38;
	[tilespmem:$0x15E10] =	vst v63  }
0x32: {  	_ =	swait.ge @!p2 [sflag:s6], $0x2000  }
0x33: {  	[sflag:s6] =	ssyncset.done @!p2 $0x0  }
0x34: {  	[sflag:s6] =	ssyncadd.s32 @!p2 $0xFFFFE000  }
0x35: {  	[spmem:s2] =	stream.linear.scatter @!p2 [tilespmem:s5], [sflag:$0x2], $0x800, $0x38;
	[tilespmem:$0x15E10] =	vst v63  }
0x36: {  	_ =	swait.ge @!p2 [sflag:s6], $0x800  }
0x37: {  	[sflag:s6] =	ssyncset.done @!p2 $0x0  }
0x38: {  	[sflag:s6] =	ssyncadd.s32 @!p2 $0xFFFFF800  }
0x39: {  	s29 =	simm.s32 $0x1;
	[bflag:$0x0] =	sbarrier.arrive $0xFFFF  }
0x3a: {  	_ =	swait.ge [sflag:s29], $0xF420  }
0x3b: {  	[sflag:s29] =	ssyncset.done $0x0  }
0x3c: {  	s30 =	simm.s32 $0x40;
	[sflag:s29] =	ssyncadd.s32 $0xFFFF0BE0  }
0x3d: {  	v3 =	vld [tilespmem:s30+$0x30]  }
0x3e: {  	v4 =	vld [tilespmem:s30+$0xFFFFFFD0]  }
0x3f: {  	v5 =	vld [tilespmem:s30+$0xFFFFFFE0]  }
0x40: {  	v6 =	vld [tilespmem:s30+$0xFFFFFFF0]  }
0x41: {  	v7 =	vld [tilespmem:s30+$0x0]  }
0x42: {  	v1 =	vmul.u32 $0x400, v1  }
0x43: {  	v8 =	vld [tilespmem:s30+$0x10]  }
0x44: {  	v2 =	vor.u32 $0x200, v1;
	v1 =	vimm.f32 $1.000000000e+00;
	v11 =	vld [tilespmem:s30+$0x20]  }
0x45: {  	v12 =	vld [tilespmem:s30+$0xFFFFFFC0];
	v9 =	vshra.s32 v3, $0x1F;
	v10 =	vshra.s32 v4, $0x1F;
	v13 =	vshra.s32 v5, $0x1F  }
0x46: {  	v62 =	vshra.s32 v6, $0x1F;
	v14 =	vshra.s32 v7, $0x1F;
	v9 =	vshrl.u32 v9, $0x1  }
0x47: {  	v10 =	vshrl.u32 v10, $0x1;
	v3 =	vxor.u32 v3, v9;
	v9 =	vshrl.u32 v13, $0x1  }
0x48: {  	v13 =	vshrl.u32 v62, $0x1;
	v10 =	vxor.u32 v4, v10;
	v3 =	vshra.s32 v3, $0x16  }
0x49: {  	v4 =	vshra.s32 v8, $0x1F;
	v63 =	vxor.u32 v5, v9;
	v15 =	vadd.s32 v2, v3  }
0x4a: {  	v5 =	vshrl.u32 v4, $0x1;
	v4 =	vshra.s32 v11, $0x1F;
	v9 =	vshra.s32 v12, $0x1F  }
0x4b: {  	v13 =	vxor.u32 v6, v13;
	v3 =	vshrl.u32 v14, $0x1;
	v6 =	vshrl.u32 v4, $0x1  }
0x4c: {  	s31 =	sshll.u32 s4, $0x7;
	p1 =	por !p1, p0;
	s6 =	simm.s32 $0xF42;
	v9 =	vshrl.u32 v9, $0x1;
	v4 =	vxor.u32 v7, v3;
	v3 =	vxor.u32 v8, v5  }
0x4d: {  	s9 =	simm.s32 $0x0;
	s8 =	simm.s32 $0xF480;
	s6 =	simm.s32 @p1 $0xF42;
	v7 =	vxor.u32 v12, v9;
	v5 =	vshra.s32 v10, $0x16;
	v6 =	vxor.u32 v11, v6  }
0x4e: {  	s10 =	simm.s32 $0xC0;
	s5 =	sadd.s32 s31, s2;
	s6 =	simm.s32 @p0 $0xF46;
	v8 =	vshra.s32 v63, $0x16;
	v9 =	vshra.s32 v7, $0x16;
	v7 =	vshra.s32 v13, $0x16;
	[tilespmem:v15+s8+$0x0] =	vst.idx.add.f32.msk $0xffff, v1  }
.LBB2_5:
0x4f: {  	v10 =	vld [tilespmem:s10+$0x30];
	s9 =	sadd.s32 $0x8, s9;
	v4 =	vshra.s32 v4, $0x16;
	v3 =	vshra.s32 v3, $0x16;
	v6 =	vshra.s32 v6, $0x16  }
0x50: {  	v9 =	vadd.s32 v2, v9;
	v5 =	vadd.s32 v2, v5;
	v8 =	vadd.s32 v2, v8;
	v11 =	vld [tilespmem:s10+$0xFFFFFFD0];
	p0 =	slt.u32 s9, $0xF38  }
0x51: {  	v7 =	vadd.s32 v2, v7;
	v4 =	vadd.s32 v2, v4;
	v13 =	vadd.s32 v2, v3;
	v12 =	vld [tilespmem:s10+$0xFFFFFFE0]  }
0x52: {  	v14 =	vadd.s32 v2, v6;
	v3 =	vld [tilespmem:s10+$0xFFFFFFF0]  }
0x53: {  	v6 =	vld [tilespmem:s10+$0x0]  }
0x54: {  	v15 =	vld [tilespmem:s10+$0x10];
	v16 =	vshra.s32 v10, $0x1F  }
0x55: {  	v17 =	vshra.s32 v11, $0x1F;
	v18 =	vld [tilespmem:s10+$0x20];
	v16 =	vshrl.u32 v16, $0x1  }
0x56: {  	v19 =	vld [tilespmem:s10+$0xFFFFFFC0];
	v17 =	vshrl.u32 v17, $0x1;
	v20 =	vshra.s32 v12, $0x1F;
	v10 =	vxor.u32 v10, v16  }
0x57: {  	v16 =	vshrl.u32 v20, $0x1;
	v20 =	vshra.s32 v3, $0x1F;
	v10 =	vshra.s32 v10, $0x16;
	[tilespmem:v9+s8+$0x0] =	vst.idx.add.f32.msk $0xffff, v1  }
0x58: {  	v9 =	vshrl.u32 v20, $0x1;
	v20 =	vshra.s32 v6, $0x1F;
	v10 =	vadd.s32 v2, v10;
	[tilespmem:v5+s8+$0x0] =	vst.idx.add.f32.msk $0xffff, v1  }
0x59: {  	v5 =	vxor.u32 v11, v17;
	v11 =	vshrl.u32 v20, $0x1;
	v17 =	vshra.s32 v15, $0x1F;
	[tilespmem:v8+s8+$0x0] =	vst.idx.add.f32.msk $0xffff, v1  }
.Ltmp2:
0x5a: {  	v8 =	vxor.u32 v12, v16;
	v12 =	vshrl.u32 v17, $0x1;
	v16 =	vshra.s32 v18, $0x1F;
	[tilespmem:v7+s8+$0x0] =	vst.idx.add.f32.msk $0xffff, v1;
	(pc) =	sbr.rel @p0 .LBB2_5-.Ltmp2, $4  }
0x5b: {  	v17 =	vxor.u32 v3, v9;
	v7 =	vshra.s32 v19, $0x1F;
	v9 =	vshrl.u32 v16, $0x1;
	[tilespmem:v4+s8+$0x0] =	vst.idx.add.f32.msk $0xffff, v1  }
0x5c: {  	v4 =	vxor.u32 v6, v11;
	v3 =	vxor.u32 v15, v12;
	v7 =	vshrl.u32 v7, $0x1;
	[tilespmem:v13+s8+$0x0] =	vst.idx.add.f32.msk $0xffff, v1  }
0x5d: {  	v5 =	vshra.s32 v5, $0x16;
	v6 =	vxor.u32 v18, v9;
	v7 =	vxor.u32 v19, v7;
	[tilespmem:v10+s8+$0x0] =	vst.idx.add.f32.msk $0xffff, v1  }
0x5e: {  	s10 =	sadd.s32 $0x80, s10;
	v8 =	vshra.s32 v8, $0x16;
	v9 =	vshra.s32 v7, $0x16;
	v7 =	vshra.s32 v17, $0x16;
	[tilespmem:v14+s8+$0x0] =	vst.idx.add.f32.msk $0xffff, v1  }
0x5f: {  	v9 =	vadd.s32 v2, v9  }
0x60: {  	v5 =	vadd.s32 v2, v5  }
0x61: {  	v8 =	vadd.s32 v2, v8  }
0x62: {  	v4 =	vshra.s32 v4, $0x16;
	v7 =	vadd.s32 v2, v7  }
0x63: {  	v3 =	vshra.s32 v3, $0x16;
	v4 =	vadd.s32 v2, v4  }
0x64: {  	v6 =	vshra.s32 v6, $0x16;
	v3 =	vadd.s32 v2, v3;
	[tilespmem:v9+s8+$0x0] =	vst.idx.add.f32.msk $0xffff, v1  }
0x65: {  	v2 =	vadd.s32 v2, v6;
	[tilespmem:v5+s8+$0x0] =	vst.idx.add.f32.msk $0xffff, v1  }
0x66: {  	[tilespmem:v8+s8+$0x0] =	vst.idx.add.f32.msk $0xffff, v1  }
0x67: {  	v62 =	vlaneseq.u32;
	[tilespmem:v7+s8+$0x0] =	vst.idx.add.f32.msk $0xffff, v1  }
0x68: {  	v63 =	vmul.u32 $0x400, v62;
	[tilespmem:v4+s8+$0x0] =	vst.idx.add.f32.msk $0xffff, v1  }
0x69: {  	[tilespmem:v3+s8+$0x0] =	vst.idx.add.f32.msk $0xffff, v1  }
0x6a: {  	s9 =	simm.s32 $0xF400;
	s10 =	simm.s32 $0xF480;
	[tilespmem:v2+s8+$0x0] =	vst.idx.add.f32.msk $0xffff, v1;
	s8 =	sadd.s32 $0xFFFFF0C0, s6;
	v1 =	vor.u32 $0x200, v63;
	v2 =	vimm.f32 $1.000000000e+00  }
.LBB2_7:
0x6b: {  	v3 =	vld [tilespmem:s9+$0x0];
	_ =	sdelay $0x4  }
0x6c: {  	v4 =	vshra.s32 v3, $0x1F  }
0x6d: {  	v4 =	vshrl.u32 v4, $0x1  }
0x6e: {  	v3 =	vxor.u32 v3, v4  }
0x6f: {  	v3 =	vshra.s32 v3, $0x16  }
0x70: {  	p0 =	sne.s32 s8, $0x1;
	v3 =	vadd.s32 v1, v3  }
.Ltmp3:
0x71: {  	_ = 	snop;
	(pc) =	sbr.rel @p0 .LBB2_7-.Ltmp3, $2  }
0x72: {  	_ =	sdelay $0x2  }
0x73: {  	s9 =	sadd.s32 $0x10, s9;
	s8 =	sadd.s32 $0xFFFFFFFF, s8;
	[tilespmem:v3+s10+$0x0] =	vst.idx.add.f32.msk $0xffff, v2  }
0x74: {  	s8 =	simm.s32 $0xF490  }
0x75: {  	s9 =	simm.s32 $0x10;
	v1 =	vld [tilespmem:s8+$0x0]  }
0x76: {  	s10 =	simm.s32 $0x0;
	v2 =	vld [tilespmem:s8+$0xFFFFFFF0];
	s28 =	sand.u32 $0x3F0, s9  }
0x77: {  	s29 =	sand.u32 $0x3E0, s10;
	v3 =	vld [tilespmem:s28+$0xF880]  }
0x78: {  	v4 =	vld [tilespmem:s29+$0xF880]  }
0x79: {  	v5 =	vld [tilespmem:s28+$0xFC80]  }
0x7a: {  	v6 =	vld [tilespmem:s29+$0xFC80]  }
0x7b: {  	v7 =	vld [tilespmem:s28+$0x10080]  }
0x7c: {  	v8 =	vld [tilespmem:s29+$0x10080]  }
0x7d: {  	v9 =	vld [tilespmem:s28+$0x10480]  }
0x7e: {  	v10 =	vld [tilespmem:s29+$0x10480]  }
0x7f: {  	v11 =	vld [tilespmem:s28+$0x10880]  }
0x80: {  	v12 =	vld [tilespmem:s29+$0x10880]  }
0x81: {  	v13 =	vld [tilespmem:s28+$0x10C80]  }
0x82: {  	v14 =	vld [tilespmem:s29+$0x10C80]  }
0x83: {  	v15 =	vld [tilespmem:s28+$0x11080]  }
0x84: {  	v16 =	vld [tilespmem:s29+$0x11080]  }
0x85: {  	v17 =	vld [tilespmem:s28+$0x11480]  }
0x86: {  	v18 =	vld [tilespmem:s29+$0x11480]  }
0x87: {  	v19 =	vld [tilespmem:s28+$0x11880]  }
0x88: {  	v20 =	vld [tilespmem:s29+$0x11880]  }
0x89: {  	v21 =	vld [tilespmem:s28+$0x11C80]  }
0x8a: {  	v22 =	vld [tilespmem:s29+$0x11C80]  }
0x8b: {  	v23 =	vld [tilespmem:s28+$0x12080]  }
0x8c: {  	v24 =	vld [tilespmem:s29+$0x12080]  }
0x8d: {  	v25 =	vld [tilespmem:s28+$0x12480]  }
0x8e: {  	v26 =	vld [tilespmem:s29+$0x12480]  }
0x8f: {  	v27 =	vld [tilespmem:s28+$0x12880]  }
0x90: {  	v28 =	vld [tilespmem:s29+$0x12880]  }
0x91: {  	v29 =	vld [tilespmem:s28+$0x12C80]  }
0x92: {  	v30 =	vld [tilespmem:s29+$0x12C80];
	v1 =	vadd.f32 $0.0e+00, v1  }
0x93: {  	v31 =	vld [tilespmem:s28+$0x13080];
	v2 =	vadd.f32 $0.0e+00, v2  }
0x94: {  	s30 =	simm.s32 $0xF4B0;
	v32 =	vld [tilespmem:s29+$0x13080];
	v1 =	vadd.f32 v3, v1  }
0x95: {  	s8 =	simm.s32 $0x30;
	v2 =	vadd.f32 v4, v2;
	v3 =	vld [tilespmem:s30+$0x0]  }
0x96: {  	s11 =	simm.s32 $0x20;
	s31 =	sand.u32 $0x3F0, s8;
	v4 =	vld [tilespmem:s30+$0xFFFFFFF0];
	v1 =	vadd.f32 v5, v1  }
0x97: {  	s11 =	sand.u32 $0x3E0, s11;
	v2 =	vadd.f32 v6, v2;
	v5 =	vld [tilespmem:s31+$0xF880]  }
0x98: {  	v6 =	vld [tilespmem:s11+$0xF880];
	v1 =	vadd.f32 v7, v1  }
0x99: {  	v2 =	vadd.f32 v8, v2;
	v7 =	vld [tilespmem:s31+$0xFC80]  }
0x9a: {  	v8 =	vld [tilespmem:s11+$0xFC80];
	v3 =	vadd.f32 $0.0e+00, v3;
	v1 =	vadd.f32 v9, v1  }
0x9b: {  	v55 =	vld [tilespmem:s31+$0x10080];
	v4 =	vadd.f32 $0.0e+00, v4;
	v2 =	vadd.f32 v10, v2  }
0x9c: {  	v3 =	vadd.f32 v5, v3;
	v5 =	vld [tilespmem:s11+$0x10080];
	v1 =	vadd.f32 v11, v1  }
0x9d: {  	v56 =	vld [tilespmem:s31+$0x10480];
	v4 =	vadd.f32 v6, v4;
	v2 =	vadd.f32 v12, v2  }
0x9e: {  	v6 =	vld [tilespmem:s11+$0x10480];
	v3 =	vadd.f32 v7, v3;
	v1 =	vadd.f32 v13, v1  }
0x9f: {  	v7 =	vld [tilespmem:s31+$0x10880];
	v4 =	vadd.f32 v8, v4;
	v2 =	vadd.f32 v14, v2  }
0xa0: {  	v8 =	vld [tilespmem:s11+$0x10880];
	v3 =	vadd.f32 v55, v3;
	v1 =	vadd.f32 v15, v1  }
0xa1: {  	v57 =	vld [tilespmem:s31+$0x10C80];
	v2 =	vadd.f32 v16, v2;
	v4 =	vadd.f32 v5, v4  }
0xa2: {  	v5 =	vld [tilespmem:s11+$0x10C80];
	v3 =	vadd.f32 v56, v3;
	v1 =	vadd.f32 v17, v1  }
0xa3: {  	v58 =	vld [tilespmem:s31+$0x11080];
	v2 =	vadd.f32 v18, v2;
	v4 =	vadd.f32 v6, v4  }
0xa4: {  	v6 =	vld [tilespmem:s11+$0x11080];
	v3 =	vadd.f32 v7, v3;
	v1 =	vadd.f32 v19, v1  }
0xa5: {  	v7 =	vld [tilespmem:s31+$0x11480];
	v2 =	vadd.f32 v20, v2;
	v4 =	vadd.f32 v8, v4  }
0xa6: {  	v8 =	vld [tilespmem:s11+$0x11480];
	v3 =	vadd.f32 v57, v3;
	v1 =	vadd.f32 v21, v1  }
0xa7: {  	v59 =	vld [tilespmem:s31+$0x11880];
	v2 =	vadd.f32 v22, v2;
	v4 =	vadd.f32 v5, v4  }
0xa8: {  	v5 =	vld [tilespmem:s11+$0x11880];
	v3 =	vadd.f32 v58, v3;
	v1 =	vadd.f32 v23, v1  }
0xa9: {  	v60 =	vld [tilespmem:s31+$0x11C80];
	v2 =	vadd.f32 v24, v2;
	v4 =	vadd.f32 v6, v4  }
0xaa: {  	v6 =	vld [tilespmem:s11+$0x11C80];
	v3 =	vadd.f32 v7, v3;
	v1 =	vadd.f32 v25, v1  }
0xab: {  	v7 =	vld [tilespmem:s31+$0x12080];
	v2 =	vadd.f32 v26, v2;
	v4 =	vadd.f32 v8, v4  }
0xac: {  	v8 =	vld [tilespmem:s11+$0x12080];
	v3 =	vadd.f32 v59, v3;
	v1 =	vadd.f32 v27, v1  }
0xad: {  	v61 =	vld [tilespmem:s31+$0x12480];
	v2 =	vadd.f32 v28, v2;
	v4 =	vadd.f32 v5, v4  }
0xae: {  	v5 =	vld [tilespmem:s11+$0x12480];
	v3 =	vadd.f32 v60, v3;
	v1 =	vadd.f32 v29, v1  }
0xaf: {  	v63 =	vld [tilespmem:s31+$0x12880];
	v62 =	vadd.f32 v30, v2;
	v4 =	vadd.f32 v6, v4  }
0xb0: {  	v2 =	vld [tilespmem:s11+$0x12880];
	v3 =	vadd.f32 v7, v3;
	v6 =	vadd.f32 v31, v1  }
0xb1: {  	v7 =	vadd.f32 v32, v62;
	v1 =	vld [tilespmem:s31+$0x12C80];
	v8 =	vadd.f32 v8, v4  }
0xb2: {  	s9 =	simm.s32 $0x13500;
	v9 =	vadd.f32 v61, v3;
	v3 =	vld [tilespmem:s11+$0x12C80]  }
0xb3: {  	v4 =	vld [tilespmem:s31+$0x13080];
	[tilespmem:s9+$0xFFFFFF80] =	vst v7;
	v7 =	vadd.f32 v5, v8  }
0xb4: {  	s10 =	simm.s32 $0x2;
	[tilespmem:s9+$0x0] =	vst v6;
	v5 =	vld [tilespmem:s11+$0x13080];
	s11 =	simm.s32 $0xF4D0;
	v6 =	vadd.f32 v63, v9  }
.LBB2_9:
0xb5: {  	v8 =	vld [tilespmem:s11+$0x0];
	s10 =	sadd.s32 $0x2, s10;
	v2 =	vadd.f32 v2, v7;
	s8 =	sadd.s32 $0x20, s8  }
0xb6: {  	s13 =	sadd.s32 $0xFFFFFFF0, s8;
	v7 =	vld [tilespmem:s11+$0xFFFFFFF0];
	s12 =	sand.u32 $0x3F0, s8;
	p0 =	slt.u32 s10, $0x3E;
	v1 =	vadd.f32 v1, v6  }
0xb7: {  	s13 =	sand.u32 $0x3E0, s13;
	v6 =	vld [tilespmem:s12+$0xF880];
	v2 =	vadd.f32 v3, v2  }
0xb8: {  	v3 =	vld [tilespmem:s13+$0xF880];
	v1 =	vadd.f32 v4, v1  }
0xb9: {  	s9 =	sadd.s32 $0x100, s9;
	v4 =	vld [tilespmem:s12+$0xFC80];
	v2 =	vadd.f32 v5, v2  }
0xba: {  	v5 =	vld [tilespmem:s13+$0xFC80];
	v8 =	vadd.f32 $0.0e+00, v8;
	[tilespmem:s9+$0x0] =	vst v1  }
0xbb: {  	v1 =	vadd.f32 $0.0e+00, v7;
	v7 =	vld [tilespmem:s12+$0x10080];
	[tilespmem:s9+$0xFFFFFF80] =	vst v2  }
0xbc: {  	v2 =	vld [tilespmem:s13+$0x10080];
	v6 =	vadd.f32 v6, v8  }
0xbd: {  	v1 =	vadd.f32 v3, v1;
	v3 =	vld [tilespmem:s12+$0x10480]  }
0xbe: {  	v8 =	vld [tilespmem:s13+$0x10480];
	v4 =	vadd.f32 v4, v6  }
0xbf: {  	v1 =	vadd.f32 v5, v1;
	v5 =	vld [tilespmem:s12+$0x10880]  }
0xc0: {  	v6 =	vld [tilespmem:s13+$0x10880];
	v4 =	vadd.f32 v7, v4  }
0xc1: {  	v1 =	vadd.f32 v2, v1;
	v2 =	vld [tilespmem:s12+$0x10C80]  }
0xc2: {  	v7 =	vld [tilespmem:s13+$0x10C80];
	v3 =	vadd.f32 v3, v4  }
0xc3: {  	v1 =	vadd.f32 v8, v1;
	v4 =	vld [tilespmem:s12+$0x11080]  }
0xc4: {  	v8 =	vld [tilespmem:s13+$0x11080];
	v3 =	vadd.f32 v5, v3  }
0xc5: {  	v1 =	vadd.f32 v6, v1;
	v5 =	vld [tilespmem:s12+$0x11480]  }
0xc6: {  	v6 =	vld [tilespmem:s13+$0x11480];
	v2 =	vadd.f32 v2, v3  }
0xc7: {  	v1 =	vadd.f32 v7, v1;
	v3 =	vld [tilespmem:s12+$0x11880]  }
0xc8: {  	v7 =	vld [tilespmem:s13+$0x11880];
	v2 =	vadd.f32 v4, v2  }
0xc9: {  	v1 =	vadd.f32 v8, v1;
	v4 =	vld [tilespmem:s12+$0x11C80]  }
0xca: {  	v8 =	vld [tilespmem:s13+$0x11C80];
	v2 =	vadd.f32 v5, v2  }
0xcb: {  	v1 =	vadd.f32 v6, v1;
	v5 =	vld [tilespmem:s12+$0x12080]  }
0xcc: {  	v6 =	vld [tilespmem:s13+$0x12080];
	v2 =	vadd.f32 v3, v2  }
0xcd: {  	v1 =	vadd.f32 v7, v1;
	v7 =	vld [tilespmem:s12+$0x12480]  }
0xce: {  	v9 =	vld [tilespmem:s13+$0x12480];
	v3 =	vadd.f32 v4, v2  }
0xcf: {  	v1 =	vadd.f32 v8, v1;
	v8 =	vld [tilespmem:s12+$0x12880]  }
.Ltmp4:
0xd0: {  	v2 =	vld [tilespmem:s13+$0x12880];
	v4 =	vadd.f32 v5, v3;
	(pc) =	sbr.rel @p0 .LBB2_9-.Ltmp4, $4  }
0xd1: {  	v5 =	vadd.f32 v6, v1;
	v1 =	vld [tilespmem:s12+$0x12C80]  }
0xd2: {  	v3 =	vld [tilespmem:s13+$0x12C80];
	v6 =	vadd.f32 v7, v4  }
0xd3: {  	v7 =	vadd.f32 v9, v5;
	v4 =	vld [tilespmem:s12+$0x13080]  }
0xd4: {  	s11 =	sadd.s32 $0x20, s11;
	v5 =	vld [tilespmem:s13+$0x13080];
	v6 =	vadd.f32 v8, v6  }
0xd5: {  	v2 =	vadd.f32 v2, v7  }
0xd6: {  	v1 =	vadd.f32 v1, v6  }
0xd7: {  	v2 =	vadd.f32 v3, v2  }
0xd8: {  	v1 =	vadd.f32 v4, v1  }
0xd9: {  	s8 =	sadd.s32 $0x100, s9;
	v2 =	vadd.f32 v5, v2  }
0xda: {  	s29 =	simm.s32 $0x40;
	[tilespmem:s8+$0x0] =	vst v1  }
0xdb: {  	s30 =	simm.s32 $0x15D00;
	s10 =	simm.s32 $0x13480;
	s31 =	simm.s32 $0x2;
	[tilespmem:s8+$0xFFFFFF80] =	vst v2  }
0xdc: {  	[spmem:s7] =	stream.indirect.scatter.add.f32 [tilespmem:s10], [sflag:$0x2], $0x10, s30, s29, $0xb8;
	[tilespmem:$0x15E10] =	vst v63  }
0xdd: {  	_ =	swait.ge [sflag:s31], $0x400  }
0xde: {  	[sflag:s31] =	ssyncset.done $0x0  }
0xdf: {  	v1 =	vimm.f32 $0.0e+00;
	s8 =	simm.s32 $0xF4C0;
	[sflag:s31] =	ssyncadd.s32 $0xFFFFFC00  }
0xe0: {  	[tilespmem:s8+$0xFFFFFFC0] =	vst v1  }
0xe1: {  	[tilespmem:s8+$0x30] =	vst v1  }
0xe2: {  	[tilespmem:s8+$0x20] =	vst v1  }
0xe3: {  	[tilespmem:s8+$0x10] =	vst v1  }
0xe4: {  	[tilespmem:s8+$0x0] =	vst v1  }
0xe5: {  	[tilespmem:s8+$0xFFFFFFF0] =	vst v1  }
0xe6: {  	s9 =	simm.s32 $0x0;
	[tilespmem:s8+$0xFFFFFFE0] =	vst v1  }
.LBB2_11:
0xe7: {  	s9 =	sadd.s32 $0x8, s9;
	[tilespmem:s8+$0xFFFFFFD0] =	vst v1;
	s8 =	sadd.s32 $0x80, s8  }
0xe8: {  	[tilespmem:s8+$0xFFFFFFC0] =	vst v1;
	p0 =	slt.u32 s9, $0x3F8  }
0xe9: {  	[tilespmem:s8+$0x30] =	vst v1  }
.Ltmp5:
0xea: {  	[tilespmem:s8+$0x20] =	vst v1;
	(pc) =	sbr.rel @p0 .LBB2_11-.Ltmp5, $4  }
0xeb: {  	[tilespmem:s8+$0x10] =	vst v1  }
0xec: {  	[tilespmem:s8+$0x0] =	vst v1  }
0xed: {  	[tilespmem:s8+$0xFFFFFFF0] =	vst v1  }
0xee: {  	[tilespmem:s8+$0xFFFFFFE0] =	vst v1  }
0xef: {  	[tilespmem:s8+$0xFFFFFFD0] =	vst v1  }
0xf0: {  	s21 =	simm.s32 $0x13480;
	s22 =	simm.s32 $0x2;
	[bflag:$0x0] =	sbarrier.arrive $0xFFFF  }
0xf1: {  	[tilespmem:s21], [sflag:$0x2] =	stream.linear.gather [spmem:s7], $0x2000, $0x38;
	[tilespmem:$0x15E10] =	vst v63  }
0xf2: {  	_ =	swait.ge [sflag:s22], $0x2000  }
0xf3: {  	[sflag:s22] =	ssyncset.done $0x0  }
0xf4: {  	s23 =	simm.s32 $0x15400;
	[sflag:s22] =	ssyncadd.s32 $0xFFFFE000  }
0xf5: {  	v1 =	vld [tilespmem:s23+$0x0]  }
0xf6: {  	v2 =	vlaneseq.u32  }
0xf7: {  	s24 =	simm.s32 $0x15380;
	v2 =	vmul.u32 $0xFFFFFFFF, v2  }
0xf8: {  	v3 =	vld [tilespmem:s24+$0x0]  }
0xf9: {  	v2 =	vadd.s32 $0xF, v2  }
0xfa: {  	v1 =	vperm.xlane v1, v2;
	_ =	sdelay $0x1  }
0xfb: {  	(xrf2) =	vadd.scan.msk.f32 $0xffff, v1  }
0xfc: {  	v5 =	vperm.xlane v3, v2;
	_ =	sdelay $0x1  }
0xfd: {  	(xrf2) =	vadd.scan.msk.f32 $0xffff, v5;
	_ =	sdelay $0x6  }
0xfe: {  	s25 =	simm.s32 $0x15300;
	v4, _, _ =	vpop (xrf2)  }
0xff: {  	v3 =	vld [tilespmem:s25+$0x0];
	(v2sf) =	vpush v4, $0xF;
	_ =	sdelay $0x1  }
0x100: {  	v6, _, _ =	vpop (xrf2)  }
0x101: {  	(v2sf) =	vpush v6, $0xF;
	_ =	sdelay $0x1  }
0x102: {  	v9 =	vperm.xlane v3, v2;
	_ =	sdelay $0x1  }
0x103: {  	(xrf2) =	vadd.scan.msk.f32 $0xffff, v9;
	_ =	sdelay $0x2  }
0x104: {  	s28 =	simm.s32 $0x15280  }
0x105: {  	v3 =	vld [tilespmem:s28+$0x0];
	_ =	sdelay $0x3  }
0x106: {  	s7 =	simm.f32 $0.0e+00;
	s26 =	spop (v2sf)  }
0x107: {  	p2 =	slt.f32 s7, $5.000000000e+05;
	v3 =	vperm.xlane v3, v2;
	s9 =	sadd.f32 s26, s7  }
0x108: {  	v11, _, _ =	vpop (xrf2)  }
0x109: {  	(xrf2) =	vadd.scan.msk.f32 $0xffff, v3;
	(v2sf) =	vpush v11, $0xF;
	s30 =	spop (v2sf);
	p0 =	sge.f32 @p2 s9, $5.000000000e+05  }
0x10a: {  	p1 =	slt.f32 s9, $5.000000000e+05;
	s11 =	sadd.f32 s30, s9  }
0x10b: {  	p5 =	por !p0, !p2  }
0x10c: {  	p0 =	sge.f32 @p1 s11, $5.000000000e+05;
	v7 =	vadd.f32 @!p5 s7, v4;
	_ =	sdelay $0x1  }
0x10d: {  	p3 =	por !p0, !p1;
	vm0 =	vge.f32 @!p5 v7, $5.000000000e+05  }
0x10e: {  	s29 =	simm.s32 $0x15200;
	v1 =	vsub.f32 @!p5 v4, v1;
	v4 =	vadd.f32 @!p3 s9, v6;
	v8 =	vmctz.xlane @!p5 vm0  }
0x10f: {  	v10 =	vlaneseq.u32 @!p5;
	v7 =	vld [tilespmem:s29+$0x0]  }
0x110: {  	vm0 =	veq.s32 @!p5 v8, v10  }
0x111: {  	v1 =	vnsel @!p5 vm0, $0x0, v1  }
0x112: {  	vm0 =	vge.f32 @!p3 v4, $5.000000000e+05;
	v4, _, _ =	vpop (xrf2);
	(xrf2) =	vadd.scan.msk.f32 @!p5 $0xffff, v1  }
0x113: {  	(v2sf) =	vpush v4, $0xF  }
0x114: {  	v1 =	vperm.xlane v7, v2  }
0x115: {  	s12 =	simm.s32 $0x15180;
	s8 =	simm.s32 $0x0;
	s17 =	simm.s32 $0x3FF  }
0x116: {  	s16 =	simm.s32 $0x3EF;
	s18 =	simm.s32 $0x3DF;
	s15 =	simm.s32 $0x3CF;
	(xrf2) =	vadd.scan.msk.f32 $0xffff, v1  }
0x117: {  	s31 =	spop (v2sf);
	p4 =	slt.f32 s11, $5.000000000e+05;
	s0 =	simm.s32 @!p5 $0x0  }
0x118: {  	s14 =	simm.s32 $0x3BF;
	s10 =	sadd.f32 s31, s11;
	s0 =	simm.s32 @p5 $0x1  }
0x119: {  	p2 =	por p2, p2;
	[smem:$0x7F9] =	sst s0;
	s0 =	simm.s32 @!p4 $0x0  }
0x11a: {  	s13 =	simm.s32 $0x3AF;
	p2 =	por p2, p2;
	s0 =	simm.s32 @p4 $0x1;
	v10 =	vld [tilespmem:s12+$0x0]  }
0x11b: {  	p6 =	sge.f32 @p4 s10, $5.000000000e+05;
	[smem:$0x7FA] =	sst s0;
	s0 =	simm.s32 @!p2 $0x0  }
0x11c: {  	p0 =	por p5, p5;
	p1 =	por p1, p1;
	v5 =	vsub.f32 @!p3 v6, v5;
	s0 =	simm.s32 @p2 $0x1;
	v7 =	vmctz.xlane @!p3 vm0;
	v6, _, _ =	vpop @!p5 (xrf2)  }
0x11d: {  	v12 =	vlaneseq.u32 @!p3;
	p6 =	por !p6, !p4;
	[smem:$0x7FB] =	sst s0;
	s0 =	simm.s32 @!p1 $0x0;
	(v2sf) =	vpush @!p0 v6, $0xF  }
0x11e: {  	s19 =	simm.s32 $0x39F;
	s0 =	simm.s32 @p1 $0x1;
	vm0 =	veq.s32 @!p3 v7, v12;
	v6 =	vadd.f32 @!p6 s11, v11;
	(v2sf) =	vpush @!p0 v8, $0x0;
	p0 =	por p0, p0  }
0x11f: {  	s21 =	simm.s32 $0x15100;
	[smem:$0x7FC] =	sst s0;
	v12 =	vnsel @!p3 vm0, $0x0, v5;
	v5 =	vperm.xlane v10, v2;
	s0 =	simm.s32 @!p0 $0x0  }
0x120: {  	s20 =	smov.u32 s10;
	v9 =	vsub.f32 @!p6 v11, v9;
	s12 =	simm.f32 $0.0e+00;
	(xrf2) =	vadd.scan.msk.f32 @!p3 $0xffff, v12;
	v8, _, _ =	vpop (xrf2);
	vm0 =	vge.f32 @!p6 v6, $5.000000000e+05;
	s0 =	simm.s32 @p0 $0x1  }
0x121: {  	v10 =	vlaneseq.u32 @!p6;
	p5 =	por p3, p3;
	(xrf2) =	vadd.scan.msk.f32 $0xffff, v5;
	p3 =	por p3, p3;
	(v2sf) =	vpush v8, $0xF;
	v6 =	vmctz.xlane @!p6 vm0;
	[smem:$0x7FD] =	sst s0  }
.LBB2_13:
0x122: {  	s0 =	sld [smem:$0x7F9];
	s22 =	spop (v2sf)  }
0x123: {  	s23 =	smov.u32 s15;
	s15 =	smov.u32 s14;
	s24 =	sld [smem:$0x7FB]  }
0x124: {  	s14 =	smov.u32 s13;
	s13 =	smov.u32 s19;
	s25 =	sld [smem:$0x7FC]  }
0x125: {  	s19 =	sadd.s32 $0xFFFFFFF0, s19;
	s26 =	sld [smem:$0x7FA];
	s28 =	smov.u32 s9  }
0x126: {  	p2 =	seq.s32 s0, $0x1;
	s0 =	simm.s32 @!p5 $0x0;
	p0 =	seq.s32 s24, $0x1  }
0x127: {  	s9 =	smov.u32 s11;
	s0 =	simm.s32 @p5 $0x1;
	p4 =	por p0, p0  }
0x128: {  	p1 =	seq.s32 s25, $0x1;
	[smem:$0x7F9] =	sst s0;
	s0 =	simm.s32 @!p4 $0x0  }
0x129: {  	s29 =	sld [smem:$0x7FD];
	s0 =	simm.s32 @p4 $0x1;
	p4 =	por p1, p1  }
0x12a: {  	p1 =	seq.s32 s26, $0x1;
	[smem:$0x7F7] =	sst s0;
	s0 =	simm.s32 @!p4 $0x0  }
0x12b: {  	s20 =	sadd.f32 s22, s20;
	s0 =	simm.s32 @p4 $0x1;
	p4 =	por p1, p1  }
0x12c: {  	s11 =	smov.u32 s10;
	vm0 =	veq.s32 @!p6 v6, v10;
	[smem:$0x7FB] =	sst s0;
	s0 =	simm.s32 @!p4 $0x0  }
0x12d: {  	v12 =	vmov v4;
	v4 =	vmov v8;
	v8 =	vnsel @!p6 vm0, $0x0, v9;
	p0 =	sne.s32 s19, $0xFFFFFFFF;
	v9, _, _ =	vpop @!p5 (xrf2);
	p5 =	por p3, p3;
	s0 =	simm.s32 @p4 $0x1  }
0x12e: {  	(v2sf) =	vpush @!p3 v9, $0xF;
	p3 =	por p5, p5;
	[smem:$0x7FC] =	sst s0;
	s0 =	simm.s32 @!p0 $0x0  }
0x12f: {  	p1 =	seq.s32 s29, $0x1;
	s30 =	sld [smem:$0x7F7];
	s0 =	simm.s32 @p0 $0x1  }
0x130: {  	s24 =	spop @!p2 (v2sf);
	p0 =	por p1, p1;
	[smem:$0x7F8] =	sst s0  }
0x131: {  	(v2sf) =	vpush @!p5 v7, $0x0;
	p5 =	por p6, p6;
	p4 =	slt.f32 s10, $5.000000000e+05;
	s24 =	sadd.f32 @!p0 s24, s12  }
0x132: {  	v11 =	vld [tilespmem:s21+$0x0];
	s25 =	spop @!p2 (v2sf);
	s0 =	simm.s32 @!p3 $0x0;
	s31 =	sld [smem:$0x7F8]  }
0x133: {  	p1 =	sge.f32 @p4 s20, $5.000000000e+05;
	s22 =	ssub.s32 @!p0 s17, s25;
	s0 =	simm.s32 @p3 $0x1  }
0x134: {  	s22 =	smov.u32 @p0 s8;
	s24 =	smov.u32 @p0 s7;
	p0 =	seq.s32 s30, $0x1  }
0x135: {  	s8 =	smov.u32 @p0 s22;
	s7 =	smov.u32 @p0 s24;
	p0 =	seq.s32 s31, $0x1  }
.Ltmp6:
0x136: {  	(xrf2) =	vadd.scan.msk.f32 @!p6 $0xffff, v8;
	p3 =	por p6, p6;
	p6 =	por !p1, !p4;
	(pc) =	sbr.rel @p0 .LBB2_13-.Ltmp6, $4  }
0x137: {  	s21 =	sadd.s32 $0xFFFFFF80, s21;
	v11 =	vperm.xlane v11, v2;
	v7 =	vmov v6;
	v6 =	vadd.f32 @!p6 s11, v12  }
0x138: {  	v8, _, _ =	vpop (xrf2);
	s10 =	smov.u32 s20;
	[smem:$0x7FD] =	sst s0;
	s0 =	simm.s32 @!p4 $0x0  }
0x139: {  	(xrf2) =	vadd.scan.msk.f32 $0xffff, v11;
	(v2sf) =	vpush v8, $0xF;
	s12 =	smov.u32 s28;
	s17 =	smov.u32 s16;
	v10 =	vlaneseq.u32 @!p6;
	s0 =	simm.s32 @p4 $0x1;
	vm0 =	vge.f32 @!p6 v6, $5.000000000e+05  }
0x13a: {  	s16 =	smov.u32 s18;
	s18 =	smov.u32 s23;
	v9 =	vsub.f32 @!p6 v12, v3;
	v3 =	vmovc v1;
	v1 =	vmovc v5;
	v5 =	vmov v11;
	[smem:$0x7FA] =	sst s0;
	v6 =	vmctz.xlane @!p6 vm0  }
0x13b: {  	_ =	sdelay $0x5  }
0x13c: {  	v2, _, _ =	vpop @!p5 (xrf2)  }
0x13d: {  	(v2sf) =	vpush @!p3 v2, $0xF  }
0x13e: {  	(v2sf) =	vpush @!p3 v7, $0x0;
	v2, _, _ =	vpop (xrf2)  }
0x13f: {  	(v2sf) =	vpush v2, $0xF;
	_ =	sdelay $0x5  }
0x140: {  	s0 =	sld [smem:$0x7F9];
	_ =	sdelay $0x1  }
0x141: {  	s19 =	spop (v2sf)  }
0x142: {  	s20 =	sadd.f32 s19, s20;
	p0 =	seq.s32 s0, $0x1  }
0x143: {  	p4 =	slt.f32 s10, $5.000000000e+05;
	s22 =	spop @!p0 (v2sf)  }
0x144: {  	p2 =	slt.f32 s20, $5.000000000e+05;
	s29 =	spop @!p0 (v2sf)  }
0x145: {  	p0 =	sge.f32 @p4 s20, $5.000000000e+05;
	s26 =	spop (v2sf)  }
0x146: {  	s19 =	sadd.f32 s26, s20;
	s21 =	spop @!p5 (v2sf)  }
0x147: {  	s0 =	simm.s32 @!p4 $0x0;
	s28 =	spop @!p5 (v2sf)  }
0x148: {  	p1 =	por !p0, !p4;
	p0 =	sge.f32 @p2 s19, $5.000000000e+05;
	s23 =	spop (v2sf)  }
0x149: {  	s0 =	simm.s32 @p4 $0x1;
	v7 =	vadd.f32 @!p1 s10, v4;
	p5 =	slt.f32 s19, $5.000000000e+05;
	s23 =	sadd.f32 s23, s19  }
0x14a: {  	[smem:$0x7E9] =	sst s0;
	s0 =	simm.s32 @!p2 $0x0  }
0x14b: {  	s0 =	simm.s32 @p2 $0x1;
	vm0 =	vge.f32 @!p1 v7, $5.000000000e+05;
	p2 =	por !p0, !p2;
	p0 =	sge.f32 @p5 s23, $5.000000000e+05  }
0x14c: {  	vm1 =	veq.s32 @!p6 v6, v10;
	[smem:$0x7EC] =	sst s0;
	v7 =	vmctz.xlane @!p1 vm0;
	v10 =	vadd.f32 @!p2 s20, v8;
	s0 =	simm.s32 @!p5 $0x0  }
0x14d: {  	v9 =	vnsel @!p6 vm1, $0x0, v9;
	v11 =	vlaneseq.u32 @!p1;
	v3 =	vsub.f32 @!p1 v4, v3;
	s0 =	simm.s32 @p5 $0x1;
	p5 =	por !p0, !p5  }
0x14e: {  	vm0 =	veq.s32 @!p1 v7, v11;
	vm1 =	vge.f32 @!p2 v10, $5.000000000e+05;
	v4 =	vadd.f32 @!p5 s19, v2  }
0x14f: {  	(xrf2) =	vadd.scan.msk.f32 @!p6 $0xffff, v9;
	v3 =	vnsel @!p1 vm0, $0x0, v3;
	v9 =	vmctz.xlane @!p2 vm1  }
0x150: {  	v1 =	vsub.f32 @!p2 v8, v1;
	v10 =	vlaneseq.u32 @!p2;
	vm0 =	vge.f32 @!p5 v4, $5.000000000e+05  }
0x151: {  	(xrf2) =	vadd.scan.msk.f32 @!p1 $0xffff, v3;
	v3 =	vmctz.xlane @!p5 vm0;
	vm0 =	veq.s32 @!p2 v9, v10  }
0x152: {  	v1 =	vnsel @!p2 vm0, $0x0, v1  }
0x153: {  	(xrf2) =	vadd.scan.msk.f32 @!p2 $0xffff, v1  }
0x154: {  	v2 =	vsub.f32 @!p5 v2, v5;
	v4 =	vlaneseq.u32 @!p5  }
0x155: {  	vm0 =	veq.s32 @!p5 v3, v4  }
0x156: {  	v1 =	vnsel @!p5 vm0, $0x0, v2;
	_ =	sdelay $0x2  }
0x157: {  	p4 =	por p6, p6;
	(xrf2) =	vadd.scan.msk.f32 @!p5 $0xffff, v1;
	v1, _, _ =	vpop @!p6 (xrf2)  }
0x158: {  	(v2sf) =	vpush @!p4 v1, $0xF  }
0x159: {  	p0 =	por p1, p1;
	v1, _, _ =	vpop @!p1 (xrf2);
	(v2sf) =	vpush @!p4 v6, $0x0  }
0x15a: {  	[smem:$0x7ED] =	sst s0;
	s0 =	simm.s32 @!p0 $0x0;
	(v2sf) =	vpush @!p0 v1, $0xF  }
0x15b: {  	s0 =	simm.s32 @p0 $0x1;
	(v2sf) =	vpush @!p0 v7, $0x0;
	p0 =	por p2, p2;
	v1, _, _ =	vpop @!p2 (xrf2)  }
0x15c: {  	(v2sf) =	vpush @!p0 v1, $0xF  }
0x15d: {  	(v2sf) =	vpush @!p0 v9, $0x0;
	_ =	sdelay $0x3  }
0x15e: {  	[smem:$0x7EA] =	sst s0;
	s0 =	simm.s32 @!p0 $0x0  }
0x15f: {  	s0 =	simm.s32 @p0 $0x1;
	v1, _, _ =	vpop @!p5 (xrf2);
	p0 =	por p5, p5  }
0x160: {  	(v2sf) =	vpush @!p0 v1, $0xF  }
0x161: {  	(v2sf) =	vpush @!p0 v3, $0x0;
	_ =	sdelay $0x2  }
0x162: {  	s26 =	spop @!p6 (v2sf)  }
0x163: {  	s30 =	spop @!p6 (v2sf)  }
0x164: {  	s1 =	sld [smem:$0x7FD];
	s25 =	spop @!p1 (v2sf)  }
0x165: {  	[smem:$0x7EB] =	sst s0;
	s0 =	simm.s32 @!p0 $0x0;
	s31 =	spop @!p1 (v2sf)  }
0x166: {  	s0 =	simm.s32 @p0 $0x1;
	s24 =	spop @!p2 (v2sf)  }
0x167: {  	[smem:$0x7EE] =	sst s0;
	s0 =	spop @!p2 (v2sf);
	p2 =	seq.s32 s1, $0x1  }
0x168: {  	p6 =	por p2, p2  }
0x169: {  	s17 =	ssub.s32 @!p6 s17, s29;
	s29 =	sld [smem:$0x7FB];
	_ =	sdelay $0x2  }
0x16a: {  	p1 =	seq.s32 s29, $0x1  }
0x16b: {  	s23 =	spop @!p5 (v2sf);
	p1 =	por p1, p1  }
0x16c: {  	s1 =	spop @!p5 (v2sf);
	p5 =	por p3, p3;
	s29 =	simm.s32 @!p1 $0x0  }
0x16d: {  	p2 =	por p5, p5;
	s29 =	simm.s32 @p1 $0x1  }
0x16e: {  	[smem:$0x7F0] =	sst s29;
	s29 =	simm.s32 @!p2 $0x0  }
0x16f: {  	s29 =	simm.s32 @p2 $0x1  }
0x170: {  	[smem:$0x7EF] =	sst s29  }
0x171: {  	s29 =	sld [smem:$0x7FC];
	_ =	sdelay $0x2  }
0x172: {  	s17 =	smov.u32 @p6 s8;
	p3 =	seq.s32 s29, $0x1  }
0x173: {  	s16 =	ssub.s32 @!p2 s16, s28;
	s8 =	smov.u32 @p1 s17;
	p0 =	por p3, p3  }
0x174: {  	p5 =	por p4, p4;
	s16 =	smov.u32 @p2 s8;
	p1 =	por p0, p0  }
0x175: {  	p5 =	por p5, p5;
	s17 =	simm.s32 @!p1 $0x0;
	s8 =	smov.u32 @p1 s16  }
0x176: {  	s16 =	ssub.s32 @!p5 s18, s30;
	s18 =	sld [smem:$0x7E9];
	s17 =	simm.s32 @p1 $0x1  }
0x177: {  	[smem:$0x7F1] =	sst s17  }
0x178: {  	s17 =	sld [smem:$0x7FA];
	_ =	sdelay $0x2  }
0x179: {  	s28 =	sld [smem:$0x7EA];
	p2 =	seq.s32 s18, $0x1;
	p1 =	seq.s32 s17, $0x1  }
0x17a: {  	s29 =	sld [smem:$0x7EB];
	p4 =	por p2, p2;
	p3 =	por p1, p1  }
0x17b: {  	p4 =	por p4, p4;
	p3 =	por p3, p3  }
0x17c: {  	s16 =	smov.u32 @p5 s8;
	p1 =	por p4, p4;
	p0 =	por p3, p3  }
0x17d: {  	p4 =	seq.s32 s29, $0x1;
	p3 =	seq.s32 s28, $0x1;
	s17 =	simm.s32 @!p0 $0x0  }
0x17e: {  	p2 =	por p3, p3;
	s8 =	smov.u32 @p0 s16;
	s17 =	simm.s32 @p0 $0x1  }
0x17f: {  	p0 =	por p2, p2;
	p2 =	por p4, p4;
	[smem:$0x7F3] =	sst s17  }
0x180: {  	s16 =	simm.s32 @!p0 $0x0;
	s15 =	ssub.s32 @!p0 s15, s31;
	s31 =	sld [smem:$0x7EC]  }
0x181: {  	s17 =	sld [smem:$0x7EE];
	s16 =	simm.s32 @p0 $0x1;
	s15 =	smov.u32 @p0 s8  }
0x182: {  	p0 =	por p2, p2;
	[smem:$0x7F2] =	sst s16;
	s16 =	simm.s32 @!p1 $0x0  }
0x183: {  	s8 =	smov.u32 @p1 s15;
	s0 =	ssub.s32 @!p0 s14, s0;
	p4 =	seq.s32 s31, $0x1  }
0x184: {  	s14 =	simm.s32 @!p0 $0x0;
	s15 =	sld [smem:$0x7ED];
	p2 =	por p4, p4  }
0x185: {  	s16 =	simm.s32 @p1 $0x1;
	p1 =	por p0, p0;
	p3 =	por p2, p2  }
0x186: {  	s14 =	simm.s32 @p0 $0x1;
	[smem:$0x7F5] =	sst s16;
	p0 =	por p3, p3  }
0x187: {  	s30 =	simm.s32 $0x40;
	[smem:$0x7F4] =	sst s14;
	s14 =	simm.s32 @!p0 $0x0  }
0x188: {  	v1 =	vld [tilespmem:s30+$0x10];
	s14 =	simm.s32 @p0 $0x1  }
0x189: {  	p2 =	seq.s32 s17, $0x1;
	v12 =	vld [tilespmem:s30+$0x20];
	[smem:$0x7F6] =	sst s14  }
0x18a: {  	p4 =	seq.s32 s15, $0x1;
	p2 =	por p2, p2;
	v13 =	vld [tilespmem:s30+$0x30]  }
0x18b: {  	s0 =	smov.u32 @p1 s8;
	p4 =	por p4, p4;
	p3 =	por p2, p2;
	v6 =	vld [tilespmem:s30+$0xFFFFFFC0]  }
0x18c: {  	s8 =	smov.u32 @p0 s0;
	p4 =	por p4, p4;
	s0 =	ssub.s32 @!p3 s13, s1;
	v10 =	vld [tilespmem:s30+$0x0]  }
0x18d: {  	v3 =	vlaneseq.u32;
	p4 =	por p4, p4;
	s0 =	smov.u32 @p3 s8;
	v7 =	vld [tilespmem:s30+$0xFFFFFFD0]  }
0x18e: {  	v11 =	vimm.f32 $0.0e+00;
	v4 =	vmul.u32 $0x400, v3;
	s8 =	smov.u32 @p4 s0;
	v9 =	vld [tilespmem:s30+$0xFFFFFFF0];
	v14 =	vshra.s32 v1, $0x1F  }
0x18f: {  	v3 =	vimm.f32 $1.000000000e+00;
	s18 =	sld [smem:$0x7EF];
	v8 =	vld [tilespmem:s30+$0xFFFFFFE0];
	v15 =	vshra.s32 v12, $0x1F;
	s8 =	sadd.s32 $0xFFFFFE00, s8;
	v14 =	vshrl.u32 v14, $0x1  }
0x190: {  	v15 =	vshrl.u32 v15, $0x1;
	v2 =	vmov s8;
	v5 =	vshra.s32 v6, $0x1F  }
0x191: {  	v23 =	vxor.u32 v12, v15;
	v16 =	vshra.s32 v13, $0x1F;
	v5 =	vshrl.u32 v5, $0x1  }
0x192: {  	p1 =	seq.s32 s18, $0x1;
	v18 =	vshra.s32 v7, $0x1F;
	v19 =	vshra.s32 v10, $0x1F;
	v17 =	vxor.u32 v6, v5  }
0x193: {  	s1 =	sadd.f32 @!p1 s21, s9;
	v20 =	vshra.s32 v9, $0x1F;
	v18 =	vshrl.u32 v18, $0x1;
	v5 =	vshra.s32 v17, $0x16  }
0x194: {  	s21 =	sld [smem:$0x7F0];
	v21 =	vshra.s32 v8, $0x1F;
	v18 =	vxor.u32 v7, v18;
	vm8 =	vgt.s32 v5, v2  }
0x195: {  	s0 =	sadd.f32 @!p6 s22, s12;
	v21 =	vshrl.u32 v21, $0x1;
	v22 =	vnsel vm8, $0x0, v6;
	v6 =	vshra.s32 v18, $0x16  }
0x196: {  	v21 =	vxor.u32 v8, v21;
	v11 =	vadd.f32 v22, v11;
	vm9 =	vgt.s32 v6, v2  }
0x197: {  	s22 =	sld [smem:$0x7F1];
	p0 =	seq.s32 s21, $0x1;
	s0 =	smov.u32 @p6 s7;
	v20 =	vshrl.u32 v20, $0x1;
	v22 =	vnsel vm9, $0x0, v7;
	v7 =	vshra.s32 v21, $0x16  }
0x198: {  	s7 =	smov.u32 @p0 s0;
	s0 =	sadd.f32 @!p5 s26, s11;
	v20 =	vxor.u32 v9, v20;
	v11 =	vadd.f32 v22, v11;
	vm10 =	vgt.s32 v7, v2  }
0x199: {  	s26 =	sld [smem:$0x7F2];
	v19 =	vshrl.u32 v19, $0x1;
	v22 =	vnsel vm10, $0x0, v8;
	v8 =	vshra.s32 v20, $0x16  }
0x19a: {  	s28 =	sld [smem:$0x7F3];
	v19 =	vxor.u32 v10, v19;
	v11 =	vadd.f32 v22, v11;
	vm11 =	vgt.s32 v8, v2  }
0x19b: {  	s29 =	sld [smem:$0x7F4];
	p0 =	seq.s32 s22, $0x1;
	s1 =	smov.u32 @p1 s7;
	v15 =	vshrl.u32 v16, $0x1;
	v22 =	vnsel vm11, $0x0, v9;
	v9 =	vshra.s32 v19, $0x16  }
0x19c: {  	s30 =	sld [smem:$0x7F5];
	s7 =	smov.u32 @p0 s1;
	p1 =	seq.s32 s26, $0x1;
	v11 =	vadd.f32 v22, v11;
	vm12 =	vgt.s32 v9, v2;
	v22 =	vxor.u32 v1, v14  }
0x19d: {  	p0 =	seq.s32 s28, $0x1;
	s0 =	smov.u32 @p5 s7;
	s1 =	sadd.f32 @!p1 s25, s10;
	v24 =	vxor.u32 v13, v15;
	v14 =	vnsel vm12, $0x0, v10;
	v10 =	vshra.s32 v22, $0x16  }
0x19e: {  	s31 =	sld [smem:$0x7F6];
	s7 =	smov.u32 @p0 s0;
	p0 =	seq.s32 s29, $0x1;
	v25 =	vshrl.u32 v17, $0xC;
	v14 =	vadd.f32 v14, v11;
	vm13 =	vgt.s32 v10, v2  }
0x19f: {  	s0 =	sadd.f32 @!p0 s24, s20;
	v16 =	vshrl.u32 v20, $0xC;
	s1 =	smov.u32 @p1 s7;
	p1 =	seq.s32 s30, $0x1;
	v11 =	vshra.s32 v23, $0x16;
	v1 =	vnsel vm13, $0x0, v1  }
0x1a0: {  	v17 =	vshrl.u32 v19, $0xC;
	s7 =	smov.u32 @p1 s1;
	vm14 =	vgt.s32 v11, v2;
	v1 =	vadd.f32 v1, v14  }
0x1a1: {  	s1 =	sadd.f32 @!p3 s23, s19;
	s0 =	smov.u32 @p0 s7;
	p0 =	seq.s32 s31, $0x1;
	v20 =	vand.u32 $0x3FF, v25;
	v15 =	vnsel vm14, $0x0, v12;
	v12 =	vshra.s32 v24, $0x16  }
0x1a2: {  	s7 =	smov.u32 @p0 s0;
	v19 =	vshrl.u32 v23, $0xC;
	vm15 =	vgt.s32 v12, v2;
	v1 =	vadd.f32 v15, v1  }
0x1a3: {  	s9 =	simm.s32 $0xF480;
	s1 =	smov.u32 @p3 s7;
	v14 =	vshrl.u32 v18, $0xC;
	v18 =	vshrl.u32 v21, $0xC;
	v13 =	vnsel vm15, $0x0, v13  }
0x1a4: {  	s11 =	simm.s32 $0xC0;
	s10 =	simm.s32 $0x0;
	s7 =	smov.u32 @p4 s1;
	v15 =	vshrl.u32 v22, $0xC;
	v1 =	vadd.f32 v13, v1;
	v13 =	vshrl.u32 v24, $0xC  }
.LBB2_15:
0x1a5: {  	v21 =	vld [tilespmem:s11+$0x10];
	v14 =	vand.u32 $0x3FF, v14;
	v18 =	vand.u32 $0x3FF, v18;
	v16 =	vand.u32 $0x3FF, v16  }
0x1a6: {  	v17 =	vand.u32 $0x3FF, v17;
	v15 =	vand.u32 $0x3FF, v15;
	v19 =	vand.u32 $0x3FF, v19;
	v22 =	vld [tilespmem:s11+$0x20]  }
0x1a7: {  	vm6 =	veq.s32 v5, v2;
	v5 =	vor.u32 v4, v20;
	v13 =	vand.u32 $0x3FF, v13;
	v23 =	vld [tilespmem:s11+$0x30]  }
0x1a8: {  	s10 =	sadd.s32 $0x8, s10;
	vm7 =	veq.s32 v6, v2;
	vm4 =	veq.s32 v7, v2;
	v6 =	vor.u32 v4, v14;
	v20 =	vld [tilespmem:s11+$0xFFFFFFC0]  }
0x1a9: {  	vm5 =	veq.s32 v8, v2;
	p0 =	slt.u32 s10, $0xF38;
	v7 =	vor.u32 v4, v18;
	v8 =	vor.u32 v4, v16;
	v14 =	vld [tilespmem:s11+$0x0]  }
0x1aa: {  	vm3 =	veq.s32 v9, v2;
	vm2 =	veq.s32 v10, v2;
	v9 =	vor.u32 v4, v17;
	v16 =	vld [tilespmem:s11+$0xFFFFFFD0]  }
0x1ab: {  	vm1 =	veq.s32 v11, v2;
	v15 =	vor.u32 v4, v15;
	v11 =	vor.u32 v4, v19;
	v10 =	vld [tilespmem:s11+$0xFFFFFFF0]  }
0x1ac: {  	vm0 =	veq.s32 v12, v2;
	v12 =	vor.u32 v4, v13;
	v17 =	vld [tilespmem:s11+$0xFFFFFFE0]  }
0x1ad: {  	v18 =	vshra.s32 v21, $0x1F;
	v13 =	vshra.s32 v20, $0x1F;
	[tilespmem:v5+s9+$0x0] =	vst.idx.add.f32.msk vm6, v3  }
0x1ae: {  	v19 =	vshra.s32 v23, $0x1F;
	v5 =	vshrl.u32 v13, $0x1;
	v13 =	vshra.s32 v22, $0x1F;
	[tilespmem:v6+s9+$0x0] =	vst.idx.add.f32.msk vm7, v3  }
0x1af: {  	v25 =	vshra.s32 v14, $0x1F;
	v24 =	vxor.u32 v20, v5;
	v6 =	vshra.s32 v16, $0x1F;
	[tilespmem:v7+s9+$0x0] =	vst.idx.add.f32.msk vm4, v3  }
0x1b0: {  	v5 =	vshra.s32 v24, $0x16;
	v6 =	vshrl.u32 v6, $0x1;
	v26 =	vshra.s32 v10, $0x1F;
	[tilespmem:v8+s9+$0x0] =	vst.idx.add.f32.msk vm5, v3  }
0x1b1: {  	vm4 =	vgt.s32 v5, v2;
	v27 =	vxor.u32 v16, v6;
	v7 =	vshra.s32 v17, $0x1F;
	[tilespmem:v9+s9+$0x0] =	vst.idx.add.f32.msk vm3, v3  }
0x1b2: {  	v8 =	vnsel vm4, $0x0, v20;
	v6 =	vshra.s32 v27, $0x16;
	v7 =	vshrl.u32 v7, $0x1;
	[tilespmem:v15+s9+$0x0] =	vst.idx.add.f32.msk vm2, v3  }
0x1b3: {  	v1 =	vadd.f32 v8, v1;
	vm2 =	vgt.s32 v6, v2;
	v15 =	vxor.u32 v17, v7  }
0x1b4: {  	v9 =	vshrl.u32 v26, $0x1;
	v8 =	vnsel vm2, $0x0, v16;
	v7 =	vshra.s32 v15, $0x16;
	[tilespmem:v11+s9+$0x0] =	vst.idx.add.f32.msk vm1, v3  }
0x1b5: {  	v16 =	vxor.u32 v10, v9;
	v1 =	vadd.f32 v8, v1;
	vm1 =	vgt.s32 v7, v2  }
0x1b6: {  	v11 =	vshrl.u32 v25, $0x1;
	v8 =	vshra.s32 v16, $0x16;
	v9 =	vnsel vm1, $0x0, v17;
	[tilespmem:v12+s9+$0x0] =	vst.idx.add.f32.msk vm0, v3  }
0x1b7: {  	vm0 =	vgt.s32 v8, v2;
	v17 =	vxor.u32 v14, v11;
	v1 =	vadd.f32 v9, v1  }
0x1b8: {  	v11 =	vshrl.u32 v18, $0x1;
	v10 =	vnsel vm0, $0x0, v10;
	v9 =	vshra.s32 v17, $0x16  }
0x1b9: {  	v20 =	vxor.u32 v21, v11;
	vm0 =	vgt.s32 v9, v2;
	v1 =	vadd.f32 v10, v1  }
0x1ba: {  	v12 =	vshrl.u32 v13, $0x1;
	v11 =	vnsel vm0, $0x0, v14;
	v10 =	vshra.s32 v20, $0x16  }
0x1bb: {  	v13 =	vxor.u32 v22, v12;
	vm0 =	vgt.s32 v10, v2;
	v1 =	vadd.f32 v11, v1  }
0x1bc: {  	v14 =	vshrl.u32 v19, $0x1;
	v12 =	vnsel vm0, $0x0, v21;
	v11 =	vshra.s32 v13, $0x16  }
0x1bd: {  	v21 =	vxor.u32 v23, v14;
	vm0 =	vgt.s32 v11, v2;
	v1 =	vadd.f32 v12, v1  }
.Ltmp7:
0x1be: {  	v19 =	vshrl.u32 v24, $0xC;
	v18 =	vnsel vm0, $0x0, v22;
	v12 =	vshra.s32 v21, $0x16;
	(pc) =	sbr.rel @p0 .LBB2_15-.Ltmp7, $4  }
0x1bf: {  	v14 =	vshrl.u32 v27, $0xC;
	vm0 =	vgt.s32 v12, v2;
	v1 =	vadd.f32 v18, v1  }
0x1c0: {  	v16 =	vshrl.u32 v16, $0xC;
	v18 =	vshrl.u32 v15, $0xC;
	v22 =	vnsel vm0, $0x0, v23  }
0x1c1: {  	v17 =	vshrl.u32 v17, $0xC;
	v15 =	vshrl.u32 v20, $0xC;
	v1 =	vadd.f32 v22, v1  }
0x1c2: {  	s11 =	sadd.s32 $0x80, s11;
	v20 =	vand.u32 $0x3FF, v19;
	v19 =	vshrl.u32 v13, $0xC;
	v13 =	vshrl.u32 v21, $0xC  }
0x1c3: {  	vm0 =	veq.s32 v5, v2  }
0x1c4: {  	v5 =	vand.u32 $0x3FF, v14;
	v59 =	vor.u32 v4, v20;
	vm1 =	veq.s32 v6, v2  }
0x1c5: {  	v6 =	vand.u32 $0x3FF, v18;
	vm2 =	veq.s32 v7, v2;
	v5 =	vor.u32 v4, v5  }
0x1c6: {  	v7 =	vand.u32 $0x3FF, v16;
	vm3 =	veq.s32 v8, v2;
	v6 =	vor.u32 v4, v6  }
0x1c7: {  	v60 =	vand.u32 $0x3FF, v17;
	vm4 =	veq.s32 v9, v2;
	v7 =	vor.u32 v4, v7  }
0x1c8: {  	v61 =	vand.u32 $0x3FF, v15;
	vm5 =	veq.s32 v10, v2;
	v8 =	vor.u32 v4, v60  }
0x1c9: {  	v62 =	vand.u32 $0x3FF, v19;
	vm6 =	veq.s32 v11, v2;
	v9 =	vor.u32 v4, v61;
	[tilespmem:v59+s9+$0x0] =	vst.idx.add.f32.msk vm0, v3  }
0x1ca: {  	v63 =	vand.u32 $0x3FF, v13;
	vm15 =	veq.s32 v12, v2;
	v10 =	vor.u32 v4, v62;
	[tilespmem:v5+s9+$0x0] =	vst.idx.add.f32.msk vm1, v3  }
0x1cb: {  	v4 =	vor.u32 v4, v63;
	[tilespmem:v6+s9+$0x0] =	vst.idx.add.f32.msk vm2, v3  }
0x1cc: {  	[tilespmem:v7+s9+$0x0] =	vst.idx.add.f32.msk vm3, v3  }
0x1cd: {  	[tilespmem:v8+s9+$0x0] =	vst.idx.add.f32.msk vm4, v3  }
0x1ce: {  	[tilespmem:v9+s9+$0x0] =	vst.idx.add.f32.msk vm5, v3  }
0x1cf: {  	[tilespmem:v10+s9+$0x0] =	vst.idx.add.f32.msk vm6, v3;
	v5 =	vlaneseq.u32  }
0x1d0: {  	s6 =	sadd.s32 $0xFFFFF0C0, s6;
	s10 =	simm.s32 $0xF480;
	[tilespmem:v4+s9+$0x0] =	vst.idx.add.f32.msk vm15, v3;
	s9 =	simm.s32 $0xF400;
	v4 =	vimm.f32 $1.000000000e+00;
	v3 =	vmul.u32 $0x400, v5  }
.LBB2_17:
0x1d1: {  	v5 =	vld [tilespmem:s9+$0x0];
	_ =	sdelay $0x4  }
0x1d2: {  	v6 =	vshra.s32 v5, $0x1F  }
0x1d3: {  	v6 =	vshrl.u32 v6, $0x1  }
0x1d4: {  	v6 =	vxor.u32 v5, v6  }
0x1d5: {  	v7 =	vshra.s32 v6, $0x16;
	v6 =	vshrl.u32 v6, $0xC  }
0x1d6: {  	vm0 =	veq.s32 v7, v2;
	v6 =	vand.u32 $0x3FF, v6  }
0x1d7: {  	p0 =	sne.s32 s6, $0x1;
	v6 =	vor.u32 v3, v6  }
.Ltmp8:
0x1d8: {  	_ = 	snop;
	(pc) =	sbr.rel @p0 .LBB2_17-.Ltmp8, $4  }
0x1d9: {  	_ = 	snop  }
0x1da: {  	vm1 =	vgt.s32 v7, v2  }
0x1db: {  	v5 =	vnsel vm1, $0x0, v5  }
0x1dc: {  	s9 =	sadd.s32 $0x10, s9;
	s6 =	sadd.s32 $0xFFFFFFFF, s6;
	v1 =	vadd.f32 v5, v1;
	[tilespmem:v6+s10+$0x0] =	vst.idx.add.f32.msk vm0, v4  }
0x1dd: {  	s0 =	simm.s32 $0xF490  }
0x1de: {  	s1 =	simm.s32 $0x10;
	v2 =	vld [tilespmem:s0+$0x0]  }
0x1df: {  	s6 =	simm.s32 $0x0;
	v3 =	vld [tilespmem:s0+$0xFFFFFFF0];
	s28 =	sand.u32 $0x3F0, s1  }
0x1e0: {  	s29 =	sand.u32 $0x3E0, s6;
	v4 =	vld [tilespmem:s28+$0xF880]  }
0x1e1: {  	v5 =	vld [tilespmem:s29+$0xF880]  }
0x1e2: {  	v6 =	vld [tilespmem:s28+$0xFC80]  }
0x1e3: {  	v7 =	vld [tilespmem:s29+$0xFC80]  }
0x1e4: {  	v8 =	vld [tilespmem:s28+$0x10080]  }
0x1e5: {  	v9 =	vld [tilespmem:s29+$0x10080]  }
0x1e6: {  	v10 =	vld [tilespmem:s28+$0x10480]  }
0x1e7: {  	v11 =	vld [tilespmem:s29+$0x10480]  }
0x1e8: {  	v12 =	vld [tilespmem:s28+$0x10880]  }
0x1e9: {  	v13 =	vld [tilespmem:s29+$0x10880]  }
0x1ea: {  	v14 =	vld [tilespmem:s28+$0x10C80]  }
0x1eb: {  	v15 =	vld [tilespmem:s29+$0x10C80]  }
0x1ec: {  	v16 =	vld [tilespmem:s28+$0x11080]  }
0x1ed: {  	v17 =	vld [tilespmem:s29+$0x11080]  }
0x1ee: {  	v18 =	vld [tilespmem:s28+$0x11480]  }
0x1ef: {  	v19 =	vld [tilespmem:s29+$0x11480]  }
0x1f0: {  	v20 =	vld [tilespmem:s28+$0x11880]  }
0x1f1: {  	v21 =	vld [tilespmem:s29+$0x11880]  }
0x1f2: {  	v22 =	vld [tilespmem:s28+$0x11C80]  }
0x1f3: {  	v23 =	vld [tilespmem:s29+$0x11C80]  }
0x1f4: {  	v24 =	vld [tilespmem:s28+$0x12080]  }
0x1f5: {  	v25 =	vld [tilespmem:s29+$0x12080]  }
0x1f6: {  	v26 =	vld [tilespmem:s28+$0x12480]  }
0x1f7: {  	v27 =	vld [tilespmem:s29+$0x12480]  }
0x1f8: {  	v28 =	vld [tilespmem:s28+$0x12880]  }
0x1f9: {  	v29 =	vld [tilespmem:s29+$0x12880]  }
0x1fa: {  	v30 =	vld [tilespmem:s28+$0x12C80]  }
0x1fb: {  	v31 =	vld [tilespmem:s29+$0x12C80];
	v2 =	vadd.f32 $0.0e+00, v2  }
0x1fc: {  	v32 =	vld [tilespmem:s28+$0x13080];
	v3 =	vadd.f32 $0.0e+00, v3  }
0x1fd: {  	s30 =	simm.s32 $0xF4B0;
	v33 =	vld [tilespmem:s29+$0x13080];
	v2 =	vadd.f32 v4, v2  }
0x1fe: {  	s6 =	simm.s32 $0x30;
	v3 =	vadd.f32 v5, v3;
	v4 =	vld [tilespmem:s30+$0x0]  }
0x1ff: {  	s31 =	simm.s32 $0x20;
	s10 =	sand.u32 $0x3F0, s6;
	v5 =	vld [tilespmem:s30+$0xFFFFFFF0];
	v2 =	vadd.f32 v6, v2  }
0x200: {  	s11 =	sand.u32 $0x3E0, s31;
	v3 =	vadd.f32 v7, v3;
	v6 =	vld [tilespmem:s10+$0xF880]  }
0x201: {  	v7 =	vld [tilespmem:s11+$0xF880];
	v2 =	vadd.f32 v8, v2  }
0x202: {  	v3 =	vadd.f32 v9, v3;
	v8 =	vld [tilespmem:s10+$0xFC80]  }
0x203: {  	v9 =	vld [tilespmem:s11+$0xFC80];
	v4 =	vadd.f32 $0.0e+00, v4;
	v2 =	vadd.f32 v10, v2  }
0x204: {  	v5 =	vadd.f32 $0.0e+00, v5;
	v3 =	vadd.f32 v11, v3;
	v10 =	vld [tilespmem:s10+$0x10080]  }
0x205: {  	v4 =	vadd.f32 v6, v4;
	v6 =	vld [tilespmem:s11+$0x10080];
	v2 =	vadd.f32 v12, v2  }
0x206: {  	v11 =	vld [tilespmem:s10+$0x10480];
	v5 =	vadd.f32 v7, v5;
	v3 =	vadd.f32 v13, v3  }
0x207: {  	v7 =	vld [tilespmem:s11+$0x10480];
	v4 =	vadd.f32 v8, v4;
	v2 =	vadd.f32 v14, v2  }
0x208: {  	v8 =	vld [tilespmem:s10+$0x10880];
	v5 =	vadd.f32 v9, v5;
	v3 =	vadd.f32 v15, v3  }
0x209: {  	v9 =	vld [tilespmem:s11+$0x10880];
	v4 =	vadd.f32 v10, v4;
	v2 =	vadd.f32 v16, v2  }
0x20a: {  	v10 =	vld [tilespmem:s10+$0x10C80];
	v3 =	vadd.f32 v17, v3;
	v5 =	vadd.f32 v6, v5  }
0x20b: {  	v6 =	vld [tilespmem:s11+$0x10C80];
	v4 =	vadd.f32 v11, v4;
	v2 =	vadd.f32 v18, v2  }
0x20c: {  	v11 =	vld [tilespmem:s10+$0x11080];
	v3 =	vadd.f32 v19, v3;
	v5 =	vadd.f32 v7, v5  }
0x20d: {  	v7 =	vld [tilespmem:s11+$0x11080];
	v4 =	vadd.f32 v8, v4;
	v2 =	vadd.f32 v20, v2  }
0x20e: {  	v8 =	vld [tilespmem:s10+$0x11480];
	v3 =	vadd.f32 v21, v3;
	v5 =	vadd.f32 v9, v5  }
0x20f: {  	v9 =	vld [tilespmem:s11+$0x11480];
	v4 =	vadd.f32 v10, v4;
	v2 =	vadd.f32 v22, v2  }
0x210: {  	v10 =	vld [tilespmem:s10+$0x11880];
	v3 =	vadd.f32 v23, v3;
	v5 =	vadd.f32 v6, v5  }
0x211: {  	v6 =	vld [tilespmem:s11+$0x11880];
	v4 =	vadd.f32 v11, v4;
	v2 =	vadd.f32 v24, v2  }
0x212: {  	v11 =	vld [tilespmem:s10+$0x11C80];
	v3 =	vadd.f32 v25, v3;
	v5 =	vadd.f32 v7, v5  }
0x213: {  	v7 =	vld [tilespmem:s11+$0x11C80];
	v4 =	vadd.f32 v8, v4;
	v2 =	vadd.f32 v26, v2  }
0x214: {  	v8 =	vld [tilespmem:s10+$0x12080];
	v3 =	vadd.f32 v27, v3;
	v5 =	vadd.f32 v9, v5  }
0x215: {  	v9 =	vld [tilespmem:s11+$0x12080];
	v4 =	vadd.f32 v10, v4;
	v2 =	vadd.f32 v28, v2  }
0x216: {  	v10 =	vld [tilespmem:s10+$0x12480];
	v3 =	vadd.f32 v29, v3;
	v5 =	vadd.f32 v6, v5  }
0x217: {  	v6 =	vld [tilespmem:s11+$0x12480];
	v4 =	vadd.f32 v11, v4;
	v2 =	vadd.f32 v30, v2  }
0x218: {  	v63 =	vld [tilespmem:s10+$0x12880];
	v11 =	vadd.f32 v31, v3;
	v5 =	vadd.f32 v7, v5  }
0x219: {  	v3 =	vld [tilespmem:s11+$0x12880];
	v4 =	vadd.f32 v8, v4;
	v7 =	vadd.f32 v32, v2  }
0x21a: {  	v8 =	vadd.f32 v33, v11;
	v2 =	vld [tilespmem:s10+$0x12C80];
	v9 =	vadd.f32 v9, v5  }
0x21b: {  	s9 =	simm.s32 $0x13500;
	v10 =	vadd.f32 v10, v4;
	v4 =	vld [tilespmem:s11+$0x12C80]  }
0x21c: {  	v5 =	vld [tilespmem:s10+$0x13080];
	[tilespmem:s9+$0xFFFFFF80] =	vst v8;
	v8 =	vadd.f32 v6, v9  }
0x21d: {  	s10 =	simm.s32 $0x2;
	[tilespmem:s9+$0x0] =	vst v7;
	v6 =	vld [tilespmem:s11+$0x13080];
	s11 =	simm.s32 $0xF4D0;
	v7 =	vadd.f32 v63, v10  }
.LBB2_19:
0x21e: {  	v9 =	vld [tilespmem:s11+$0x0];
	s10 =	sadd.s32 $0x2, s10;
	v3 =	vadd.f32 v3, v8;
	s6 =	sadd.s32 $0x20, s6  }
0x21f: {  	s0 =	sadd.s32 $0xFFFFFFF0, s6;
	v8 =	vld [tilespmem:s11+$0xFFFFFFF0];
	s12 =	sand.u32 $0x3F0, s6;
	p0 =	slt.u32 s10, $0x3E;
	v2 =	vadd.f32 v2, v7  }
0x220: {  	s13 =	sand.u32 $0x3E0, s0;
	v7 =	vld [tilespmem:s12+$0xF880];
	v3 =	vadd.f32 v4, v3  }
0x221: {  	v4 =	vld [tilespmem:s13+$0xF880];
	v2 =	vadd.f32 v5, v2  }
0x222: {  	s9 =	sadd.s32 $0x100, s9;
	v5 =	vld [tilespmem:s12+$0xFC80];
	v3 =	vadd.f32 v6, v3  }
0x223: {  	v6 =	vld [tilespmem:s13+$0xFC80];
	v9 =	vadd.f32 $0.0e+00, v9;
	[tilespmem:s9+$0x0] =	vst v2  }
0x224: {  	v2 =	vadd.f32 $0.0e+00, v8;
	v8 =	vld [tilespmem:s12+$0x10080];
	[tilespmem:s9+$0xFFFFFF80] =	vst v3  }
0x225: {  	v3 =	vld [tilespmem:s13+$0x10080];
	v7 =	vadd.f32 v7, v9  }
0x226: {  	v2 =	vadd.f32 v4, v2;
	v4 =	vld [tilespmem:s12+$0x10480]  }
0x227: {  	v9 =	vld [tilespmem:s13+$0x10480];
	v5 =	vadd.f32 v5, v7  }
0x228: {  	v2 =	vadd.f32 v6, v2;
	v6 =	vld [tilespmem:s12+$0x10880]  }
0x229: {  	v7 =	vld [tilespmem:s13+$0x10880];
	v5 =	vadd.f32 v8, v5  }
0x22a: {  	v2 =	vadd.f32 v3, v2;
	v3 =	vld [tilespmem:s12+$0x10C80]  }
0x22b: {  	v8 =	vld [tilespmem:s13+$0x10C80];
	v4 =	vadd.f32 v4, v5  }
0x22c: {  	v2 =	vadd.f32 v9, v2;
	v5 =	vld [tilespmem:s12+$0x11080]  }
0x22d: {  	v9 =	vld [tilespmem:s13+$0x11080];
	v4 =	vadd.f32 v6, v4  }
0x22e: {  	v2 =	vadd.f32 v7, v2;
	v6 =	vld [tilespmem:s12+$0x11480]  }
0x22f: {  	v7 =	vld [tilespmem:s13+$0x11480];
	v3 =	vadd.f32 v3, v4  }
0x230: {  	v2 =	vadd.f32 v8, v2;
	v4 =	vld [tilespmem:s12+$0x11880]  }
0x231: {  	v8 =	vld [tilespmem:s13+$0x11880];
	v3 =	vadd.f32 v5, v3  }
0x232: {  	v2 =	vadd.f32 v9, v2;
	v5 =	vld [tilespmem:s12+$0x11C80]  }
0x233: {  	v9 =	vld [tilespmem:s13+$0x11C80];
	v3 =	vadd.f32 v6, v3  }
0x234: {  	v2 =	vadd.f32 v7, v2;
	v6 =	vld [tilespmem:s12+$0x12080]  }
0x235: {  	v7 =	vld [tilespmem:s13+$0x12080];
	v3 =	vadd.f32 v4, v3  }
0x236: {  	v2 =	vadd.f32 v8, v2;
	v8 =	vld [tilespmem:s12+$0x12480]  }
0x237: {  	v10 =	vld [tilespmem:s13+$0x12480];
	v4 =	vadd.f32 v5, v3  }
0x238: {  	v2 =	vadd.f32 v9, v2;
	v9 =	vld [tilespmem:s12+$0x12880]  }
.Ltmp9:
0x239: {  	v3 =	vld [tilespmem:s13+$0x12880];
	v5 =	vadd.f32 v6, v4;
	(pc) =	sbr.rel @p0 .LBB2_19-.Ltmp9, $4  }
0x23a: {  	v6 =	vadd.f32 v7, v2;
	v2 =	vld [tilespmem:s12+$0x12C80]  }
0x23b: {  	v4 =	vld [tilespmem:s13+$0x12C80];
	v7 =	vadd.f32 v8, v5  }
0x23c: {  	v8 =	vadd.f32 v10, v6;
	v5 =	vld [tilespmem:s12+$0x13080]  }
0x23d: {  	s11 =	sadd.s32 $0x20, s11;
	v6 =	vld [tilespmem:s13+$0x13080];
	v7 =	vadd.f32 v9, v7  }
0x23e: {  	v3 =	vadd.f32 v3, v8  }
0x23f: {  	v2 =	vadd.f32 v2, v7  }
0x240: {  	v3 =	vadd.f32 v4, v3  }
0x241: {  	v2 =	vadd.f32 v5, v2  }
0x242: {  	s0 =	sadd.s32 $0x100, s9;
	v3 =	vadd.f32 v6, v3  }
0x243: {  	[tilespmem:s0+$0x0] =	vst v2  }
0x244: {  	s30 =	simm.s32 $0x40;
	[tilespmem:s0+$0xFFFFFF80] =	vst v3  }
0x245: {  	s1 =	simm.s32 $0x15D00;
	s9 =	simm.s32 $0x13480;
	s6 =	simm.s32 $0x2;
	[tilespmem:$0x15480] =	vst v1  }
0x246: {  	[spmem:s3] =	stream.indirect.scatter.add.f32 [tilespmem:s9], [sflag:$0x2], $0x10, s1, s30, $0xb8;
	[tilespmem:$0x15E10] =	vst v63  }
0x247: {  	_ =	swait.ge [sflag:s6], $0x400  }
0x248: {  	[sflag:s6] =	ssyncset.done $0x0  }
0x249: {  	s31 =	simm.s32 $0x15480;
	[sflag:s6] =	ssyncadd.s32 $0xFFFFFC00  }
0x24a: {  	[spmem:s5] =	stream.linear.scatter [tilespmem:s31], [sflag:$0x2], $0x80, $0x38;
	[tilespmem:$0x15E10] =	vst v63  }
0x24b: {  	_ =	swait.ge [sflag:s6], $0x80  }
0x24c: {  	[sflag:s6] =	ssyncset.done $0x0  }
0x24d: {  	[sflag:s6] =	ssyncadd.s32 $0xFFFFFF80  }
0x24e: {  	p0 =	sne.s32 s4, $0x0;
	[bflag:$0x0] =	sbarrier.arrive $0xFFFF  }
0x24f: {  	_ =	sfence.sel @p0 $0x180000  }
0x250: {  	[bflag:$0x0] =	sbarrier.arrive @p0 $0xFFFF  }
0x251: {  	_ =	strace @p0 $0x90000047  }
0x252: {  	[bflag:$0x2] =	sbarrier.arrive @p0 $0xFFFF  }
0x253: {  	_ =	shalt @p0  }
.LBB2_21:
0x254: {  	[tilespmem:s9], [sflag:$0x2] =	stream.linear.gather [spmem:s3], $0x2000, $0x38;
	[tilespmem:$0x15E10] =	vst v63  }
0x255: {  	_ =	swait.ge [sflag:s6], $0x2000  }
0x256: {  	[sflag:s6] =	ssyncset.done $0x0  }
0x257: {  	s0 =	simm.s32 $0x15500;
	[sflag:s6] =	ssyncadd.s32 $0xFFFFE000  }
0x258: {  	[tilespmem:s0], [sflag:$0x2] =	stream.linear.gather [spmem:s2], $0x800, $0x38;
	[tilespmem:$0x15E10] =	vst v63  }
0x259: {  	_ =	swait.ge [sflag:s6], $0x800  }
0x25a: {  	[sflag:s6] =	ssyncset.done $0x0  }
0x25b: {  	s23 =	simm.s32 $0x15400;
	[sflag:s6] =	ssyncadd.s32 $0xFFFFF800  }
0x25c: {  	v1 =	vld [tilespmem:s23+$0x0]  }
0x25d: {  	v2 =	vlaneseq.u32  }
0x25e: {  	v2 =	vmul.u32 $0xFFFFFFFF, v2;
	_ =	sdelay $0x1  }
0x25f: {  	s24 =	simm.s32 $0x15380;
	v2 =	vadd.s32 $0xF, v2  }
0x260: {  	v3 =	vperm.xlane v1, v2;
	v1 =	vld [tilespmem:s24+$0x0];
	_ =	sdelay $0x2  }
0x261: {  	(xrf2) =	vadd.scan.msk.f32 $0xffff, v3;
	_ =	sdelay $0x1  }
0x262: {  	v6 =	vperm.xlane v1, v2;
	_ =	sdelay $0x1  }
0x263: {  	(xrf2) =	vadd.scan.msk.f32 $0xffff, v6;
	_ =	sdelay $0x5  }
0x264: {  	v5, _, _ =	vpop (xrf2)  }
0x265: {  	s25 =	simm.s32 $0x15300;
	(v2sf) =	vpush v5, $0xF  }
0x266: {  	v1 =	vld [tilespmem:s25+$0x0];
	_ =	sdelay $0x1  }
0x267: {  	v7, _, _ =	vpop (xrf2)  }
0x268: {  	(v2sf) =	vpush v7, $0xF;
	_ =	sdelay $0x1  }
0x269: {  	v10 =	vperm.xlane v1, v2;
	_ =	sdelay $0x1  }
0x26a: {  	(xrf2) =	vadd.scan.msk.f32 $0xffff, v10;
	_ =	sdelay $0x2  }
0x26b: {  	s28 =	simm.s32 $0x15280  }
0x26c: {  	v4 =	vld [tilespmem:s28+$0x0];
	_ =	sdelay $0x1  }
0x26d: {  	s2 =	ssub.f32 $5.000000000e+05, s7  }
0x26e: {  	s3 =	simm.f32 $0.0e+00;
	s26 =	spop (v2sf)  }
0x26f: {  	p2 =	slt.f32 s3, s2;
	s4 =	sadd.f32 s26, s3  }
0x270: {  	v4 =	vperm.xlane v4, v2  }
0x271: {  	v12, _, _ =	vpop (xrf2);
	p0 =	sge.f32 @p2 s4, s2  }
0x272: {  	(xrf2) =	vadd.scan.msk.f32 $0xffff, v4;
	(v2sf) =	vpush v12, $0xF;
	s30 =	spop (v2sf)  }
0x273: {  	p1 =	slt.f32 s4, s2;
	p5 =	por !p0, !p2;
	s6 =	sadd.f32 s30, s4  }
0x274: {  	v8 =	vadd.f32 @!p5 s3, v5  }
0x275: {  	v1 =	vmov s2;
	p0 =	sge.f32 @p1 s6, s2  }
0x276: {  	vm0 =	vge.f32 @!p5 v8, v1  }
0x277: {  	s29 =	simm.s32 $0x15200;
	v9 =	vmctz.xlane @!p5 vm0;
	p4 =	por !p0, !p1  }
0x278: {  	v11 =	vlaneseq.u32 @!p5;
	v3 =	vsub.f32 @!p5 v5, v3;
	v8 =	vld [tilespmem:s29+$0x0];
	v5 =	vadd.f32 @!p4 s4, v7  }
0x279: {  	vm0 =	veq.s32 @!p5 v9, v11  }
0x27a: {  	v3 =	vnsel @!p5 vm0, $0x0, v3  }
0x27b: {  	(xrf2) =	vadd.scan.msk.f32 @!p5 $0xffff, v3  }
0x27c: {  	vm0 =	vge.f32 @!p4 v5, v1;
	v5, _, _ =	vpop (xrf2)  }
0x27d: {  	v3 =	vperm.xlane v8, v2;
	(v2sf) =	vpush v5, $0xF  }
0x27e: {  	s1 =	simm.s32 $0x15180;
	s14 =	simm.s32 $0x3FF;
	s13 =	simm.s32 $0x3EF  }
0x27f: {  	s15 =	simm.s32 $0x3DF;
	s12 =	simm.s32 $0x3CF;
	s0 =	simm.s32 @!p5 $0x0;
	(xrf2) =	vadd.scan.msk.f32 $0xffff, v3  }
0x280: {  	s11 =	simm.s32 $0x3BF;
	s0 =	simm.s32 @p5 $0x1;
	p3 =	slt.f32 s6, s2  }
0x281: {  	s9 =	simm.s32 $0x3AF;
	[smem:$0x7E4] =	sst s0;
	s31 =	spop (v2sf)  }
0x282: {  	p2 =	por p2, p2;
	s0 =	simm.s32 @!p3 $0x0;
	s5 =	sadd.f32 s31, s6  }
0x283: {  	s16 =	simm.s32 $0x39F;
	p2 =	por p2, p2;
	v11 =	vld [tilespmem:s1+$0x0];
	s0 =	simm.s32 @p3 $0x1  }
0x284: {  	[smem:$0x7E5] =	sst s0;
	s0 =	simm.s32 @!p2 $0x0;
	p6 =	sge.f32 @p3 s5, s2  }
0x285: {  	p0 =	por p5, p5;
	p1 =	por p1, p1;
	v6 =	vsub.f32 @!p4 v7, v6;
	s0 =	simm.s32 @p2 $0x1;
	v8 =	vmctz.xlane @!p4 vm0;
	v7, _, _ =	vpop @!p5 (xrf2)  }
0x286: {  	v13 =	vlaneseq.u32 @!p4;
	[smem:$0x7E6] =	sst s0;
	s0 =	simm.s32 @!p1 $0x0;
	p6 =	por !p6, !p3;
	(v2sf) =	vpush @!p0 v7, $0xF  }
0x287: {  	s18 =	simm.s32 $0x15100;
	s0 =	simm.s32 @p1 $0x1;
	vm0 =	veq.s32 @!p4 v8, v13;
	v7 =	vadd.f32 @!p6 s6, v12;
	(v2sf) =	vpush @!p0 v9, $0x0;
	p0 =	por p0, p0  }
0x288: {  	s10 =	simm.f32 $0.0e+00;
	[smem:$0x7E7] =	sst s0;
	v13 =	vnsel @!p4 vm0, $0x0, v6;
	v6 =	vperm.xlane v11, v2;
	s0 =	simm.s32 @!p0 $0x0  }
0x289: {  	s7 =	simm.s32 $0x0;
	s17 =	smov.u32 s5;
	v10 =	vsub.f32 @!p6 v12, v10;
	(xrf2) =	vadd.scan.msk.f32 @!p4 $0xffff, v13;
	v9, _, _ =	vpop (xrf2);
	vm0 =	vge.f32 @!p6 v7, v1;
	s0 =	simm.s32 @p0 $0x1  }
0x28a: {  	v11 =	vlaneseq.u32 @!p6;
	p5 =	por p4, p4;
	(xrf2) =	vadd.scan.msk.f32 $0xffff, v6;
	p4 =	por p4, p4;
	(v2sf) =	vpush v9, $0xF;
	v7 =	vmctz.xlane @!p6 vm0;
	[smem:$0x7E8] =	sst s0  }
.LBB2_22:
0x28b: {  	s19 =	sld [smem:$0x7E6]  }
0x28c: {  	s0 =	sld [smem:$0x7E4];
	s24 =	spop (v2sf)  }
0x28d: {  	s1 =	smov.u32 s12;
	s12 =	smov.u32 s11;
	s25 =	sld [smem:$0x7E7]  }
0x28e: {  	s11 =	smov.u32 s9;
	s9 =	smov.u32 s16;
	p0 =	seq.s32 s19, $0x1  }
0x28f: {  	s16 =	sadd.s32 $0xFFFFFFF0, s16;
	s26 =	sld [smem:$0x7E5];
	p3 =	por p0, p0  }
0x290: {  	s29 =	sld [smem:$0x7E8];
	p1 =	seq.s32 s25, $0x1;
	s19 =	simm.s32 @!p3 $0x0  }
0x291: {  	s17 =	sadd.f32 s24, s17;
	s19 =	simm.s32 @p3 $0x1;
	p3 =	por p1, p1  }
0x292: {  	p1 =	seq.s32 s26, $0x1;
	[smem:$0x7E2] =	sst s19;
	s19 =	simm.s32 @!p3 $0x0  }
0x293: {  	p2 =	seq.s32 s0, $0x1;
	s19 =	simm.s32 @p3 $0x1;
	p3 =	por p1, p1  }
0x294: {  	s0 =	simm.s32 @!p5 $0x0;
	[smem:$0x7E6] =	sst s19;
	s19 =	simm.s32 @!p3 $0x0  }
0x295: {  	vm0 =	veq.s32 @!p6 v7, v11;
	s0 =	simm.s32 @p5 $0x1;
	p0 =	sne.s32 s16, $0xFFFFFFFF;
	s19 =	simm.s32 @p3 $0x1  }
0x296: {  	v13 =	vmov v5;
	v5 =	vmov v9;
	v9 =	vnsel @!p6 vm0, $0x0, v10;
	v10, _, _ =	vpop @!p5 (xrf2);
	p5 =	por p4, p4;
	[smem:$0x7E7] =	sst s19;
	s19 =	simm.s32 @!p0 $0x0  }
0x297: {  	[smem:$0x7E4] =	sst s0;
	(v2sf) =	vpush @!p4 v10, $0xF;
	p4 =	por p5, p5;
	s19 =	simm.s32 @p0 $0x1  }
0x298: {  	p3 =	slt.f32 s5, s2;
	[smem:$0x7E3] =	sst s19;
	s19 =	simm.s32 @!p4 $0x0  }
0x299: {  	s28 =	smov.u32 s4;
	s30 =	sld [smem:$0x7E2];
	s19 =	simm.s32 @p4 $0x1  }
0x29a: {  	s4 =	smov.u32 s6;
	[smem:$0x7E8] =	sst s19;
	s19 =	simm.s32 @!p3 $0x0  }
0x29b: {  	p1 =	seq.s32 s29, $0x1;
	s31 =	sld [smem:$0x7E3];
	s19 =	simm.s32 @p3 $0x1  }
0x29c: {  	p0 =	por p1, p1;
	[smem:$0x7E5] =	sst s19;
	s19 =	spop @!p2 (v2sf)  }
0x29d: {  	v12 =	vld [tilespmem:s18+$0x0];
	s6 =	smov.u32 s5;
	s19 =	sadd.f32 @!p0 s19, s10;
	s20 =	spop @!p2 (v2sf)  }
0x29e: {  	(v2sf) =	vpush @!p5 v8, $0x0;
	p5 =	por p6, p6;
	p1 =	sge.f32 @p3 s17, s2;
	s0 =	ssub.s32 @!p0 s14, s20  }
0x29f: {  	s0 =	smov.u32 @p0 s7;
	s19 =	smov.u32 @p0 s3;
	p0 =	seq.s32 s30, $0x1  }
0x2a0: {  	s7 =	smov.u32 @p0 s0;
	s3 =	smov.u32 @p0 s19;
	p0 =	seq.s32 s31, $0x1  }
.Ltmp10:
0x2a1: {  	(xrf2) =	vadd.scan.msk.f32 @!p6 $0xffff, v9;
	p4 =	por p6, p6;
	p6 =	por !p1, !p3;
	(pc) =	sbr.rel @p0 .LBB2_22-.Ltmp10, $3  }
0x2a2: {  	v12 =	vperm.xlane v12, v2;
	v8 =	vmov v7;
	v7 =	vadd.f32 @!p6 s6, v13;
	_ =	sdelay $0x1  }
0x2a3: {  	s18 =	sadd.s32 $0xFFFFFF80, s18;
	v9, _, _ =	vpop (xrf2);
	(xrf2) =	vadd.scan.msk.f32 $0xffff, v12;
	s5 =	smov.u32 s17;
	v11 =	vlaneseq.u32 @!p6;
	v10 =	vsub.f32 @!p6 v13, v4;
	vm0 =	vge.f32 @!p6 v7, v1;
	s10 =	smov.u32 s28  }
0x2a4: {  	v4 =	vmovc v3;
	v3 =	vmovc v6;
	v6 =	vmov v12;
	(v2sf) =	vpush v9, $0xF;
	v7 =	vmctz.xlane @!p6 vm0;
	s14 =	smov.u32 s13;
	s13 =	smov.u32 s15;
	s15 =	smov.u32 s1  }
0x2a5: {  	_ =	sdelay $0x5  }
0x2a6: {  	v2, _, _ =	vpop @!p5 (xrf2)  }
0x2a7: {  	(v2sf) =	vpush @!p4 v2, $0xF  }
0x2a8: {  	(v2sf) =	vpush @!p4 v8, $0x0;
	v2, _, _ =	vpop (xrf2)  }
0x2a9: {  	(v2sf) =	vpush v2, $0xF;
	_ =	sdelay $0x5  }
0x2aa: {  	s1 =	sld [smem:$0x7E4];
	_ =	sdelay $0x1  }
0x2ab: {  	s0 =	spop (v2sf)  }
0x2ac: {  	s17 =	sadd.f32 s0, s17;
	p0 =	seq.s32 s1, $0x1  }
0x2ad: {  	p1 =	slt.f32 s5, s2;
	s19 =	spop @!p0 (v2sf)  }
0x2ae: {  	p3 =	slt.f32 s17, s2;
	s23 =	spop @!p0 (v2sf)  }
0x2af: {  	p0 =	sge.f32 @p1 s17, s2;
	s26 =	spop (v2sf)  }
0x2b0: {  	s1 =	simm.s32 @!p1 $0x0;
	s16 =	sadd.f32 s26, s17;
	s18 =	spop @!p5 (v2sf)  }
0x2b1: {  	s1 =	simm.s32 @p1 $0x1;
	p1 =	por !p0, !p1;
	s24 =	spop @!p5 (v2sf)  }
0x2b2: {  	v8 =	vadd.f32 @!p1 s5, v5;
	p0 =	sge.f32 @p3 s16, s2;
	s28 =	spop (v2sf)  }
0x2b3: {  	p5 =	slt.f32 s16, s2;
	s0 =	sadd.f32 s28, s16  }
0x2b4: {  	vm1 =	vge.f32 @!p1 v8, v1;
	p2 =	por !p0, !p3  }
0x2b5: {  	vm0 =	veq.s32 @!p6 v7, v11;
	v11 =	vmctz.xlane @!p1 vm1;
	v8 =	vadd.f32 @!p2 s17, v9;
	p0 =	sge.f32 @p5 s0, s2  }
0x2b6: {  	v10 =	vnsel @!p6 vm0, $0x0, v10;
	[smem:$0x7D7] =	sst s1;
	s1 =	simm.s32 @!p3 $0x0;
	v12 =	vlaneseq.u32 @!p1;
	v4 =	vsub.f32 @!p1 v5, v4  }
0x2b7: {  	(xrf2) =	vadd.scan.msk.f32 @!p6 $0xffff, v10;
	s1 =	simm.s32 @p3 $0x1;
	vm1 =	veq.s32 @!p1 v11, v12;
	vm0 =	vge.f32 @!p2 v8, v1;
	p3 =	por !p0, !p5  }
0x2b8: {  	v4 =	vnsel @!p1 vm1, $0x0, v4;
	v5 =	vmctz.xlane @!p2 vm0;
	v8 =	vadd.f32 @!p3 s16, v2  }
0x2b9: {  	(xrf2) =	vadd.scan.msk.f32 @!p1 $0xffff, v4;
	v10 =	vlaneseq.u32 @!p2;
	v3 =	vsub.f32 @!p2 v9, v3  }
0x2ba: {  	vm0 =	veq.s32 @!p2 v5, v10;
	vm1 =	vge.f32 @!p3 v8, v1  }
0x2bb: {  	v1 =	vnsel @!p2 vm0, $0x0, v3;
	v3 =	vmctz.xlane @!p3 vm1  }
0x2bc: {  	v2 =	vsub.f32 @!p3 v2, v6;
	(xrf2) =	vadd.scan.msk.f32 @!p2 $0xffff, v1;
	v1 =	vlaneseq.u32 @!p3  }
0x2bd: {  	vm0 =	veq.s32 @!p3 v3, v1  }
0x2be: {  	v1 =	vnsel @!p3 vm0, $0x0, v2;
	_ =	sdelay $0x1  }
0x2bf: {  	[smem:$0x7D9] =	sst s1;
	s1 =	simm.s32 @!p5 $0x0  }
0x2c0: {  	s1 =	simm.s32 @p5 $0x1;
	p5 =	por p6, p6;
	(xrf2) =	vadd.scan.msk.f32 @!p3 $0xffff, v1;
	v1, _, _ =	vpop @!p6 (xrf2)  }
0x2c1: {  	(v2sf) =	vpush @!p5 v1, $0xF  }
0x2c2: {  	p0 =	por p1, p1;
	v1, _, _ =	vpop @!p1 (xrf2);
	(v2sf) =	vpush @!p5 v7, $0x0  }
0x2c3: {  	(v2sf) =	vpush @!p0 v1, $0xF  }
0x2c4: {  	s0 =	simm.s32 @!p0 $0x0;
	(v2sf) =	vpush @!p0 v11, $0x0  }
0x2c5: {  	s0 =	simm.s32 @p0 $0x1;
	v1, _, _ =	vpop @!p2 (xrf2);
	p0 =	por p2, p2  }
0x2c6: {  	(v2sf) =	vpush @!p0 v1, $0xF  }
0x2c7: {  	(v2sf) =	vpush @!p0 v5, $0x0;
	_ =	sdelay $0x2  }
0x2c8: {  	[smem:$0x7D6] =	sst s0;
	s0 =	simm.s32 @!p0 $0x0  }
0x2c9: {  	s0 =	simm.s32 @p0 $0x1;
	p0 =	por p3, p3;
	v1, _, _ =	vpop @!p3 (xrf2)  }
0x2ca: {  	s29 =	sld [smem:$0x7E6];
	(v2sf) =	vpush @!p0 v1, $0xF  }
0x2cb: {  	s30 =	sld [smem:$0x7E7];
	(v2sf) =	vpush @!p0 v3, $0x0  }
0x2cc: {  	s26 =	sld [smem:$0x7E8]  }
0x2cd: {  	[smem:$0x7D8] =	sst s0;
	s0 =	simm.s32 @!p0 $0x0  }
0x2ce: {  	s31 =	sld [smem:$0x7E5];
	s0 =	simm.s32 @p0 $0x1;
	s22 =	spop @!p6 (v2sf)  }
0x2cf: {  	[smem:$0x7DB] =	sst s0;
	s0 =	spop @!p6 (v2sf)  }
0x2d0: {  	s28 =	sld [smem:$0x7D7];
	p6 =	seq.s32 s26, $0x1;
	s21 =	spop @!p1 (v2sf)  }
0x2d1: {  	[smem:$0x7DA] =	sst s1;
	p6 =	por p6, p6;
	s1 =	spop @!p1 (v2sf)  }
0x2d2: {  	p1 =	seq.s32 s29, $0x1;
	s23 =	ssub.s32 @!p6 s14, s23;
	s29 =	sld [smem:$0x7D8]  }
0x2d3: {  	s20 =	spop @!p2 (v2sf);
	p1 =	por p1, p1;
	s23 =	smov.u32 @p6 s7  }
0x2d4: {  	s25 =	spop @!p2 (v2sf);
	s26 =	simm.s32 @!p1 $0x0;
	p2 =	por p4, p4  }
0x2d5: {  	s7 =	smov.u32 @p1 s23;
	p4 =	seq.s32 s31, $0x1;
	s31 =	sld [smem:$0x7DA]  }
0x2d6: {  	s26 =	simm.s32 @p1 $0x1;
	p2 =	por p2, p2;
	p1 =	por p5, p5  }
0x2d7: {  	[smem:$0x7DD] =	sst s26;
	s14 =	simm.s32 @!p2 $0x0;
	s13 =	ssub.s32 @!p2 s13, s24  }
0x2d8: {  	p5 =	por p1, p1;
	s24 =	sld [smem:$0x7D6];
	s14 =	simm.s32 @p2 $0x1  }
0x2d9: {  	p1 =	seq.s32 s28, $0x1;
	[smem:$0x7DC] =	sst s14;
	s14 =	spop @!p3 (v2sf)  }
0x2da: {  	s13 =	smov.u32 @p2 s7;
	s26 =	spop @!p3 (v2sf);
	p3 =	seq.s32 s30, $0x1  }
0x2db: {  	s0 =	ssub.s32 @!p5 s15, s0;
	p2 =	por p1, p1;
	p0 =	por p3, p3  }
0x2dc: {  	s15 =	simm.s32 $0x10;
	p3 =	por p4, p4;
	p0 =	por p0, p0  }
0x2dd: {  	s30 =	sld [smem:$0x7D9];
	p3 =	por p3, p3;
	s23 =	simm.s32 @!p0 $0x0  }
0x2de: {  	s7 =	smov.u32 @p0 s13;
	s23 =	simm.s32 @p0 $0x1;
	p0 =	por p3, p3  }
0x2df: {  	p3 =	seq.s32 s24, $0x1;
	s0 =	smov.u32 @p5 s7;
	s24 =	simm.s32 $0x0  }
0x2e0: {  	[smem:$0x7DE] =	sst s23;
	s13 =	simm.s32 @!p0 $0x0;
	p4 =	por p3, p3  }
0x2e1: {  	s7 =	smov.u32 @p0 s0;
	p3 =	por p2, p2;
	s13 =	simm.s32 @p0 $0x1  }
0x2e2: {  	p1 =	por p4, p4;
	p4 =	seq.s32 s29, $0x1;
	p0 =	por p3, p3  }
0x2e3: {  	p3 =	seq.s32 s30, $0x1;
	s28 =	sld [smem:$0x7DE];
	s0 =	simm.s32 @!p1 $0x0  }
0x2e4: {  	[smem:$0x7E0] =	sst s13;
	p2 =	por p4, p4;
	s0 =	simm.s32 @p1 $0x1  }
0x2e5: {  	s13 =	simm.s32 $0x30;
	[smem:$0x7DF] =	sst s0;
	s0 =	ssub.s32 @!p1 s12, s1  }
0x2e6: {  	p4 =	por p2, p2;
	p2 =	seq.s32 s31, $0x1;
	s0 =	smov.u32 @p1 s7  }
0x2e7: {  	s7 =	smov.u32 @p0 s0;
	s0 =	ssub.s32 @!p4 s11, s25;
	s11 =	sld [smem:$0x7DB]  }
0x2e8: {  	s30 =	sld [smem:$0x7E0];
	s1 =	simm.s32 @!p0 $0x0;
	p2 =	por p2, p2  }
0x2e9: {  	s12 =	sshll.u32 s8, $0x16;
	s8 =	sadd.f32 @!p6 s19, s10;
	p1 =	por p3, p3  }
0x2ea: {  	s1 =	simm.s32 @p0 $0x1;
	p3 =	por p1, p1;
	p1 =	seq.s32 s11, $0x1  }
0x2eb: {  	p2 =	por p2, p2;
	s25 =	sld [smem:$0x7DC];
	p1 =	por p1, p1  }
0x2ec: {  	p0 =	por p3, p3;
	s0 =	smov.u32 @p4 s7;
	p3 =	por p1, p1  }
0x2ed: {  	v1 =	vlaneseq.u32;
	s7 =	smov.u32 @p0 s0;
	p1 =	por p0, p0;
	s0 =	ssub.s32 @!p3 s9, s26  }
0x2ee: {  	v4 =	vimm.f32 $0.0e+00;
	v5 =	vor.u32 s15, v1;
	v54 =	vor.u32 s24, v1;
	p0 =	por p2, p2;
	s26 =	sld [smem:$0x7DD];
	s0 =	smov.u32 @p3 s7  }
0x2ef: {  	v55 =	vshll.u32 v54, $0xC;
	v8 =	vor.u32 s13, v1;
	v2 =	vmov s12;
	[smem:$0x7E1] =	sst s1;
	s7 =	smov.u32 @p0 s0  }
0x2f0: {  	v7 =	vshll.u32 v8, $0xC;
	s8 =	smov.u32 @p6 s3;
	v11 =	vadd.s32 v2, v55;
	p6 =	seq.s32 s25, $0x1;
	v3 =	vmov s7;
	s7 =	simm.s32 $0x13580  }
0x2f1: {  	s23 =	simm.s32 $0x20;
	vm0 =	vlt.s32 v2, $0x0;
	v7 =	vadd.s32 v2, v7;
	v13 =	vxor.u32 $0x7FFFFFFF, v11;
	s0 =	sadd.f32 @!p6 s18, s4;
	p2 =	seq.s32 s26, $0x1;
	v53 =	vld [tilespmem:s7+$0xFFFFFF00]  }
0x2f2: {  	v6 =	vor.u32 s23, v1;
	s29 =	sld [smem:$0x7DF];
	v15 =	vxor.u32 $0x7FFFFFFF, v7;
	v57 =	vsel vm0, v13, v11;
	s3 =	smov.u32 @p2 s8  }
0x2f3: {  	s1 =	sadd.f32 @!p5 s22, s6;
	vm1 =	vgt.s32 v8, v3;
	vm2 =	vgt.s32 v6, v3;
	vm3 =	veq.s32 v6, v3;
	v56 =	vld [tilespmem:s7+$0xFFFFFF80];
	p2 =	seq.s32 s28, $0x1;
	s0 =	smov.u32 @p6 s3  }
0x2f4: {  	vm4 =	vgt.s32 v5, v3;
	vm5 =	veq.s32 v5, v3;
	v5 =	vshll.u32 v5, $0xC;
	s3 =	smov.u32 @p2 s0  }
0x2f5: {  	s31 =	sld [smem:$0x7E1];
	vm6 =	vgt.s32 v54, v3;
	vm7 =	veq.s32 v54, v3;
	v58 =	vld [tilespmem:s7+$0x0];
	v5 =	vadd.s32 v2, v5;
	s1 =	smov.u32 @p5 s3;
	p5 =	seq.s32 s29, $0x1  }
0x2f6: {  	v6 =	vshll.u32 v6, $0xC;
	v59 =	vxor.u32 $0x7FFFFFFF, v5;
	p2 =	seq.s32 s30, $0x1;
	s0 =	sadd.f32 @!p5 s21, s5;
	v9 =	vmul.f32 v57, v53  }
0x2f7: {  	v14 =	vld [tilespmem:s7+$0x80];
	v6 =	vadd.s32 v2, v6;
	v10 =	vnsel vm7, $0x0, v57;
	v5 =	vsel vm0, v59, v5;
	s3 =	smov.u32 @p2 s1  }
0x2f8: {  	v60 =	vxor.u32 $0x7FFFFFFF, v6;
	s1 =	sadd.f32 @!p4 s20, s17;
	p2 =	seq.s32 s31, $0x1;
	v12 =	vmul.f32 v5, v56;
	s0 =	smov.u32 @p5 s3;
	v9 =	vnsel vm6, $0x0, v9  }
0x2f9: {  	v6 =	vsel vm0, v60, v6;
	s3 =	smov.u32 @p2 s0;
	v9 =	vadd.f32 v9, v4;
	v4 =	vadd.f32 v10, v4  }
0x2fa: {  	v5 =	vnsel vm5, $0x0, v5;
	v11 =	vmul.f32 v6, v58;
	s0 =	sadd.f32 @!p3 s14, s16;
	v61 =	vnsel vm4, $0x0, v12;
	s1 =	smov.u32 @p4 s3  }
0x2fb: {  	s3 =	smov.u32 @p1 s1;
	v9 =	vadd.f32 v61, v9;
	v5 =	vadd.f32 v5, v4;
	v4 =	vsel vm0, v15, v7  }
0x2fc: {  	v63 =	vnsel vm3, $0x0, v6;
	v62 =	vnsel vm2, $0x0, v11;
	s0 =	smov.u32 @p3 s3;
	v7 =	vmul.f32 v4, v14  }
0x2fd: {  	s4 =	simm.s32 $0x0;
	s5 =	simm.s32 $0x70;
	vm2 =	veq.s32 v8, v3;
	s3 =	smov.u32 @p0 s0;
	v6 =	vadd.f32 v62, v9;
	v5 =	vadd.f32 v5, v63  }
.LBB2_24:
0x2fe: {  	v8 =	vor.u32 s5, v1;
	v7 =	vnsel vm1, $0x0, v7;
	v4 =	vnsel vm2, $0x0, v4  }
0x2ff: {  	s0 =	sadd.s32 $0xFFFFFFE0, s5;
	s1 =	sadd.s32 $0xFFFFFFF0, s5;
	vm1 =	vgt.s32 v8, v3;
	v6 =	vadd.f32 v7, v6;
	v4 =	vadd.f32 v5, v4  }
0x300: {  	s6 =	sadd.s32 $0xFFFFFFD0, s5;
	s4 =	sadd.s32 $0x4, s4;
	s7 =	sadd.s32 $0x200, s7;
	v5 =	vor.u32 s0, v1;
	v7 =	vor.u32 s1, v1;
	v9 =	vshll.u32 v8, $0xC  }
0x301: {  	v11 =	vor.u32 s6, v1;
	p0 =	slt.u32 s4, $0x3C;
	vm2 =	vgt.s32 v7, v3;
	vm3 =	veq.s32 v7, v3;
	v10 =	vld [tilespmem:s7+$0xFFFFFF00]  }
0x302: {  	v12 =	vshll.u32 v11, $0xC;
	vm4 =	vgt.s32 v5, v3;
	vm5 =	veq.s32 v5, v3  }
0x303: {  	vm6 =	vgt.s32 v11, v3;
	v9 =	vadd.s32 v2, v9;
	v12 =	vadd.s32 v2, v12;
	v13 =	vld [tilespmem:s7+$0xFFFFFF80]  }
0x304: {  	vm7 =	veq.s32 v11, v3;
	v5 =	vshll.u32 v5, $0xC;
	v14 =	vxor.u32 $0x7FFFFFFF, v12  }
0x305: {  	v7 =	vshll.u32 v7, $0xC;
	v5 =	vadd.s32 v2, v5;
	v11 =	vsel vm0, v14, v12;
	v12 =	vld [tilespmem:s7+$0x0]  }
0x306: {  	v7 =	vadd.s32 v2, v7;
	v14 =	vxor.u32 $0x7FFFFFFF, v5;
	v10 =	vmul.f32 v11, v10  }
0x307: {  	v16 =	vxor.u32 $0x7FFFFFFF, v9;
	v5 =	vsel vm0, v14, v5;
	v14 =	vxor.u32 $0x7FFFFFFF, v7;
	v15 =	vld [tilespmem:s7+$0x80]  }
0x308: {  	v11 =	vnsel vm7, $0x0, v11;
	v10 =	vnsel vm6, $0x0, v10;
	v13 =	vmul.f32 v5, v13  }
.Ltmp11:
0x309: {  	v7 =	vsel vm0, v14, v7;
	v4 =	vadd.f32 v11, v4;
	v6 =	vadd.f32 v10, v6;
	(pc) =	sbr.rel @p0 .LBB2_24-.Ltmp11, $4  }
0x30a: {  	v5 =	vnsel vm5, $0x0, v5;
	v10 =	vnsel vm4, $0x0, v13;
	v11 =	vmul.f32 v7, v12  }
0x30b: {  	v5 =	vadd.f32 v5, v4;
	v4 =	vsel vm0, v16, v9;
	v6 =	vadd.f32 v10, v6  }
0x30c: {  	v10 =	vnsel vm3, $0x0, v7;
	v9 =	vnsel vm2, $0x0, v11;
	v7 =	vmul.f32 v4, v15  }
0x30d: {  	s5 =	sadd.s32 $0x40, s5;
	v5 =	vadd.f32 v5, v10;
	vm2 =	veq.s32 v8, v3;
	v6 =	vadd.f32 v9, v6  }
0x30e: {  	s0 =	simm.s32 $0x15600  }
0x30f: {  	v1 =	vld [tilespmem:s0+$0xFFFFFF00];
	_ =	sdelay $0x2  }
0x310: {  	v8 =	vld [tilespmem:s0+$0xFFFFFF80]  }
0x311: {  	v2 =	vimm.f32 $0.0e+00;
	v3 =	vnsel vm1, $0x0, v7  }
0x312: {  	v7 =	vadd.f32 v1, v2;
	v1 =	vadd.f32 v3, v6;
	v3 =	vld [tilespmem:s0+$0x0];
	_ =	sdelay $0x1  }
0x313: {  	v2 =	vnsel vm2, $0x0, v4;
	v4 =	vld [tilespmem:s0+$0x80]  }
0x314: {  	s4 =	simm.s32 $0x0;
	s5 =	simm.s32 $0x15800;
	v2 =	vadd.f32 v5, v2;
	v5 =	vadd.f32 v8, v7  }
.LBB2_26:
0x315: {  	v6 =	vld [tilespmem:s5+$0xFFFFFF00];
	s4 =	sadd.s32 $0x4, s4  }
0x316: {  	p0 =	slt.u32 s4, $0xC;
	v3 =	vadd.f32 v3, v5  }
0x317: {  	v5 =	vld [tilespmem:s5+$0xFFFFFF80]  }
.Ltmp12:
0x318: {  	v4 =	vadd.f32 v4, v3;
	(pc) =	sbr.rel @p0 .LBB2_26-.Ltmp12, $4  }
0x319: {  	v3 =	vld [tilespmem:s5+$0x0]  }
0x31a: {  	v6 =	vadd.f32 v6, v4  }
0x31b: {  	v4 =	vld [tilespmem:s5+$0x80]  }
0x31c: {  	s5 =	sadd.s32 $0x200, s5;
	v5 =	vadd.f32 v5, v6  }
0x31d: {  	_ = 	snop  }
0x31e: {  	v3 =	vadd.f32 v3, v5;
	_ =	sdelay $0x1  }
0x31f: {  	(xrf2) =	vadd.scan.msk.f32 $0xffff, v1;
	v3 =	vadd.f32 v4, v3  }
0x320: {  	(xrf2) =	vadd.scan.msk.f32 $0xffff, v2  }
0x321: {  	(xrf2) =	vadd.scan.msk.f32 $0xffff, v3;
	_ =	sdelay $0x7  }
0x322: {  	v1, _, _ =	vpop (xrf2)  }
0x323: {  	v2, _, _ =	vpop (xrf2)  }
0x324: {  	v3, _, _ =	vpop (xrf2)  }
0x325: {  	v2 =	vadd.f32 $0.0e+00, v2;
	v3 =	vadd.f32 $0.0e+00, v3;
	_ =	sdelay $0x1  }
0x326: {  	s0 =	ssub.f32 s2, s3;
	v2 =	vbroadcast v2, $0xF;
	v1 =	vadd.f32 v3, v1;
	_ =	sdelay $0x1  }
0x327: {  	v2 =	vmul.f32 s0, v2;
	v1 =	vbroadcast v1, $0xF;
	_ =	sdelay $0x1  }
0x328: {  	v1 =	vadd.f32 v1, v2;
	_ =	sdelay $0x1  }
0x329: {  	v0 =	vmul.f32 v1, v0  }
0x32a: {  	s28 =	simm.s32 $0x0  }
0x32b: {  	s1 =	simm.s32 $0x15480;
	s29 =	rddreg [dreg:$0x1];
	s30 =	simm.s32 $0x2;
	[tilespmem:$0x15480] =	vst v0  }
0x32c: {  	[hbm4b:s29+s28] =	stream.linear.scatter [tilespmem:s1], [sflag:$0x2], $0x80, $0x38;
	[tilespmem:$0x15E10] =	vst v63  }
0x32d: {  	_ =	swait.ge [sflag:s30], $0x80  }
0x32e: {  	[sflag:s30] =	ssyncset.done $0x0  }
0x32f: {  	[sflag:s30] =	ssyncadd.s32 $0xFFFFFF80  }
0x330: {  	_ =	sfence.sel $0x180000  }
0x331: {  	[bflag:$0x0] =	sbarrier.arrive $0xFFFF  }
0x332: {  	_ =	strace $0x90000047  }
0x333: {  	[bflag:$0x2] =	sbarrier.arrive $0xFFFF  }
0x334: {  	s31 =	rddreg [dreg:$0x5]  }
0x335: {  	s0 =	sadd.s32 $0x100000, s31  }
0x336: {  	[sflag:s0] =	ssyncadd.tile.s32 $0x1;
	_ =	shalt  }
.Lfunc_end2:
_tile_overlayer_lowered:
.L_overlay_start_2:
0x337: {  	(tag) =	ssettag $0x2  }
0x338: {  	s0 =	rddreg [dreg:$0x0];
	s2 =	stileid.u32  }
0x339: {  	s1 =	rddreg [dreg:$0x1];
	p0 =	sne.s32 s2, $0x0  }
0x33a: {  	s3 =	rddreg [dreg:$0x2];
	[bflag:$0x3] =	sbarrier.arrive $0xFFFF;
	s2 =	simm.s32 @!p0 $0x1C02  }
0x33b: {  	[timem:s3], [sflag:s2] =	dma.local @!p0 [hbm:s0], s1  }
0x33c: {  	s0 =	simm.s32 @!p0 $0x2  }
0x33d: {  	_ =	swait.ge @!p0 [sflag:s0], s1  }
0x33e: {  	s1 =	ssub.s32 @!p0 $0x0, s1;
	[sflag:s0] =	ssyncset.done @!p0 $0x0  }
0x33f: {  	[sflag:s0] =	ssyncadd.s32 @!p0 s1  }
0x340: {  	[bflag:$0x3] =	sbarrier.arrive $0xFFFF  }
0x341: {  	_ =	shalt  }

</sc_bundles>
